<compile_context>
chip_gen: v7x
topology: tpu7x:2x2x1
jax: 0.10.2.dev20260603
libtpu: 0.0.44.dev20260713+nightly
codegen_flags: <defaults>
</compile_context>

<pallas_src>
import functools

import jax
import jax.numpy as jnp
from jax import lax
from jax.experimental import pallas as pl
from jax.experimental.pallas import tpu as pltpu
from jax.experimental.pallas import tpu_sc as plsc

_GROUPS = 4
_K = 1024
_GD = 64
_TB = 2304

_IDX_CHUNK = 128


def _dist_argmax_body(x_ref, emb_ref, ind_ref, fidx_ref, e2_ref):
    @pl.when(pl.program_id(0) == 0)
    def _():
        for g in range(_GROUPS):
            emb = emb_ref[g]
            e2_ref[g] = jnp.sum(emb ** 2, axis=1)[None, :]

    kiof = lax.broadcasted_iota(jnp.int32, (1, _K), 1).astype(jnp.float32)
    inds = []
    for g in range(_GROUPS):
        xg = x_ref[:, g * _GD:(g + 1) * _GD]
        emb = emb_ref[g]
        x2 = jnp.sum(xg ** 2, axis=1, keepdims=True)
        e2 = e2_ref[g]
        mm = lax.dot_general(xg, emb, (((1,), (1,)), ((), ())),
                             preferred_element_type=jnp.float32)
        t = (x2 - 2.0 * mm) + e2
        mn = jnp.min(t, axis=-1, keepdims=True)
        idxf = jnp.min(jnp.where(t == mn, kiof, float(_K)), axis=-1)
        inds.append(idxf.astype(jnp.int32))
    ind = jnp.stack(inds, axis=1)
    ind_ref[...] = ind
    off = lax.broadcasted_iota(jnp.int32, (1, _GROUPS), 1) * _K
    fidx_ref[...] = ind + off


def _dist_argmax(xf, embed):
    tokens = xf.shape[0]
    dim = xf.shape[1]
    grid = (tokens // _TB,)
    return pl.pallas_call(
        _dist_argmax_body,
        grid=grid,
        in_specs=[
            pl.BlockSpec((_TB, dim), lambda i: (i, 0)),
            pl.BlockSpec((_GROUPS, _K, _GD), lambda i: (0, 0, 0)),
        ],
        out_specs=[
            pl.BlockSpec((_TB, _GROUPS), lambda i: (i, 0)),
            pl.BlockSpec((_TB, _GROUPS), lambda i: (i, 0)),
        ],
        out_shape=[
            jax.ShapeDtypeStruct((tokens, _GROUPS), jnp.int32),
            jax.ShapeDtypeStruct((tokens, _GROUPS), jnp.int32),
        ],
        scratch_shapes=[pltpu.VMEM((_GROUPS, 1, _K), jnp.float32)],
    )(xf, embed)


def _sc_gather(table, fidx, rows_total, chunk=_IDX_CHUNK):
    info = plsc.get_sparse_core_info()
    nc, ns = info.num_cores, info.num_subcores
    nw = nc * ns
    rpw = rows_total // nw
    chunks = rpw // chunk
    mesh = plsc.VectorSubcoreMesh(core_axis_name="c", subcore_axis_name="s")

    @functools.partial(
        pl.kernel,
        mesh=mesh,
        out_type=jax.ShapeDtypeStruct((rows_total, _GD), jnp.float32),
        scratch_types=[
            pltpu.VMEM((chunks, chunk), jnp.int32),
            pltpu.VMEM((rpw, _GD), jnp.float32),
            pltpu.SemaphoreType.DMA,
            pltpu.SemaphoreType.DMA,
        ],
        compiler_params=pltpu.CompilerParams(use_tc_tiling_on_sc=False),
    )
    def gather_k(table_hbm, idx_hbm, out_hbm, idx_v, rows_v, gsem, ssem):
        wid = lax.axis_index("s") * nc + lax.axis_index("c")
        pltpu.sync_copy(idx_hbm.at[wid], idx_v)
        copies = [
            pltpu.async_copy(table_hbm.at[idx_v.at[j]],
                             rows_v.at[pl.ds(j * chunk, chunk)],
                             gsem)
            for j in range(chunks)
        ]
        first = chunks // 2
        for cp in copies[:first]:
            cp.wait()
        s1 = pltpu.async_copy(rows_v.at[pl.ds(0, first * chunk)],
                              out_hbm.at[pl.ds(wid * rpw, first * chunk)],
                              ssem)
        for cp in copies[first:]:
            cp.wait()
        s2 = pltpu.async_copy(
            rows_v.at[pl.ds(first * chunk, rpw - first * chunk)],
            out_hbm.at[pl.ds(wid * rpw + first * chunk, rpw - first * chunk)],
            ssem)
        s1.wait()
        s2.wait()

    return gather_k(table, fidx)


def kernel(x, embed):
    b, t, dim = x.shape
    tokens = b * t

    info = plsc.get_sparse_core_info()
    nw = info.num_cores * info.num_subcores
    table = embed.reshape(_GROUPS * _K, _GD)
    xf = x.reshape(tokens, dim)

    rows_total = tokens * _GROUPS
    ind, fidx = _dist_argmax(xf, embed)
    fidx_w = fidx.reshape(nw, rows_total // (nw * _IDX_CHUNK), _IDX_CHUNK)
    rows = _sc_gather(table, fidx_w, rows_total)

    quantize = rows.reshape(b, t, dim)
    embed_ind = ind.reshape(b, t, _GROUPS)
    return quantize, embed_ind

# --- scband reference (transcript-rebuilt; emitter-appended) ---
"""Pipeline reference for scband-grouped-vq-4672924418780 (READ-ONLY COPY).

The authoritative reference and input builder live on the scoring server;
editing this copy changes nothing except your own understanding.
"""

import jax, jax.numpy as jnp
import numpy as np

GROUPS = 4
CODEBOOK_SIZE = 1024
DIM = 256
GDIM = DIM // GROUPS  # 64
B = 16
T = 576

def setup_inputs(seed: int = 0) -> dict:
    key = jax.random.key(seed)
    k1, k2 = jax.random.split(key)
    x = jax.random.normal(k1, (B, T, DIM), dtype=jnp.float32)
    # per-group Euclidean codebooks (EMA buffers in torch; treated as params here)
    embed = jax.random.normal(k2, (GROUPS, CODEBOOK_SIZE, GDIM), dtype=jnp.float32)
    return {"x": x, "embed": embed}

def reference(x, embed):
    # GroupedVQ: split channels into GROUPS groups, run EuclideanCodebook VQ per group,
    # concatenate quantized outputs, stack indices. Eval-mode (no EMA update).
    shape = x.shape
    xg = x.reshape(shape[0], shape[1], GROUPS, GDIM)
    quant_groups = []
    ind_groups = []
    for g in range(GROUPS):
        flatten = xg[:, :, g, :].reshape(-1, GDIM)
        emb = embed[g]  # [K, GDIM]
        # negative squared euclidean distance, matching torch:
        # dist = -(||x||^2 - 2 x e^T + ||e||^2)
        dist = -(jnp.sum(flatten ** 2, axis=1, keepdims=True)
                 - 2.0 * (flatten @ emb.T)
                 + jnp.sum(emb ** 2, axis=1)[None, :])
        embed_ind = jnp.argmax(dist, axis=-1)  # [B*T]
        quantize = jnp.take(emb, embed_ind, axis=0)  # embedding lookup
        quant_groups.append(quantize.reshape(shape[0], shape[1], GDIM))
        ind_groups.append(embed_ind.reshape(shape[0], shape[1]))
    quantize = jnp.concatenate(quant_groups, axis=-1)  # [B, T, DIM]
    embed_ind = jnp.stack(ind_groups, axis=-1)  # [B, T, GROUPS]
    # straight-through estimator: quantize = x + (quantize - x).detach()
    quantize = x + jax.lax.stop_gradient(quantize - x)
    return quantize, embed_ind

if __name__ == "__main__":
    import jax
    _d = setup_inputs()
    print(jax.jit(kernel)(*tuple(_d.values())))

</pallas_src>

<mosaic_0001>
#map = affine_map<(d0, d1) -> (0, 0)>
#map1 = affine_map<(d0, d1) -> (0, 0, 0)>
module attributes {stable_mosaic.version = 14 : i64} {
  func.func @gather_k(%arg0: i32, %arg1: i32, %arg2: memref<4096x64xf32, #tpu.memory_space<hbm>>, %arg3: memref<32x9x128xi32, #tpu.memory_space<hbm>>, %arg4: memref<36864x64xf32, #tpu.memory_space<hbm>>, %arg5: memref<9x128xi32, #tpu.memory_space<vmem>>, %arg6: memref<1152x64xf32, #tpu.memory_space<vmem>>, %arg7: memref<!tpu.dma_semaphore, #tpu.memory_space<semaphore_mem>>, %arg8: memref<!tpu.dma_semaphore, #tpu.memory_space<semaphore_mem>>) attributes {dimension_semantics = [#tpu.dimension_semantics<core_parallel>, #tpu.dimension_semantics<subcore_parallel>], iteration_bounds = array<i64: 2, 16>, scalar_prefetch = 0 : i64, scratch_operands = 4 : i64, tpu.core_type = #tpu.core_type<sc_vector_subcore>, window_params = [{transform_indices = #map}, {transform_indices = #map1}, {transform_indices = #map}]} {
    %mul3A = arith.constant 2 : i32
    %mul3A_0 = arith.muli %arg1, %mul3A : i32
    %add3A = arith.addi %mul3A_0, %arg0 : i32
    "tpu.region"() ({
      %run_scoped3A = tpu.sem_alloc : memref<!tpu.dma_semaphore, #tpu.memory_space<semaphore_mem>>
      %dma_start3A_225 = arith.constant 0 : i32
      %dma_start3A_226 = arith.constant 0 : i32
      %dma_start3A_227 = tpu.memref_slice %arg3[%add3A, %dma_start3A_225, %dma_start3A_226] : memref<32x9x128xi32, #tpu.memory_space<hbm>> -> memref<1x9x128xi32, #tpu.memory_space<hbm>>
      %dma_start3A_228 = tpu.memref_squeeze %dma_start3A_227 : memref<1x9x128xi32, #tpu.memory_space<hbm>> -> memref<9x128xi32, #tpu.memory_space<hbm>>
      %dma_start3A_229 = arith.constant 0 : i32
      %dma_start3A_230 = arith.constant 0 : i32
      %dma_start3A_231 = tpu.memref_slice %arg3[%add3A, %dma_start3A_229, %dma_start3A_230] : memref<32x9x128xi32, #tpu.memory_space<hbm>> -> memref<1x9x128xi32, #tpu.memory_space<hbm>>
      %dma_start3A_232 = tpu.memref_squeeze %dma_start3A_231 : memref<1x9x128xi32, #tpu.memory_space<hbm>> -> memref<9x128xi32, #tpu.memory_space<hbm>>
      tpu.enqueue_dma source(%dma_start3A_232 : memref<9x128xi32, #tpu.memory_space<hbm>>) target(%arg5 : memref<9x128xi32, #tpu.memory_space<vmem>>) target_semaphore(%run_scoped3A : memref<!tpu.dma_semaphore, #tpu.memory_space<semaphore_mem>>)
      %dma_wait3A_233 = arith.constant 0 : i32
      %dma_wait3A_234 = arith.constant 0 : i32
      %dma_wait3A_235 = tpu.memref_slice %arg3[%add3A, %dma_wait3A_233, %dma_wait3A_234] : memref<32x9x128xi32, #tpu.memory_space<hbm>> -> memref<1x9x128xi32, #tpu.memory_space<hbm>>
      %dma_wait3A_236 = tpu.memref_squeeze %dma_wait3A_235 : memref<1x9x128xi32, #tpu.memory_space<hbm>> -> memref<9x128xi32, #tpu.memory_space<hbm>>
      %dma_wait3A_237 = arith.constant 0 : i32
      %dma_wait3A_238 = arith.constant 0 : i32
      %dma_wait3A_239 = tpu.memref_slice %arg3[%add3A, %dma_wait3A_237, %dma_wait3A_238] : memref<32x9x128xi32, #tpu.memory_space<hbm>> -> memref<1x9x128xi32, #tpu.memory_space<hbm>>
      %dma_wait3A_240 = tpu.memref_squeeze %dma_wait3A_239 : memref<1x9x128xi32, #tpu.memory_space<hbm>> -> memref<9x128xi32, #tpu.memory_space<hbm>>
      tpu.wait_dma2 semaphore(%run_scoped3A : memref<!tpu.dma_semaphore, #tpu.memory_space<semaphore_mem>>) src(%dma_wait3A_240 : memref<9x128xi32, #tpu.memory_space<hbm>>) dst(%arg5 : memref<9x128xi32, #tpu.memory_space<vmem>>)
      tpu.yield
    }) : () -> ()
    %dma_start3A = arith.constant 0 : i32
    %dma_start3A_1 = arith.constant 0 : i32
    %dma_start3A_2 = arith.constant 0 : i32
    %dma_start3A_3 = tpu.memref_slice %arg6[%dma_start3A_1, %dma_start3A_2] : memref<1152x64xf32, #tpu.memory_space<vmem>> -> memref<128x64xf32, #tpu.memory_space<vmem>>
    %dma_start3A_4 = arith.constant 0 : i32
    %dma_start3A_5 = tpu.memref_slice %arg5[%dma_start3A, %dma_start3A_4] : memref<9x128xi32, #tpu.memory_space<vmem>> -> memref<1x128xi32, #tpu.memory_space<vmem>>
    %dma_start3A_6 = tpu.memref_squeeze %dma_start3A_5 : memref<1x128xi32, #tpu.memory_space<vmem>> -> memref<128xi32, #tpu.memory_space<vmem>>
    %dma_start3A_7 = arith.constant 0 : i32
    %dma_start3A_8 = arith.constant 0 : i32
    %dma_start3A_9 = tpu.memref_slice %arg2[%dma_start3A_7, %dma_start3A_8] : memref<4096x64xf32, #tpu.memory_space<hbm>> -> memref<4096x64xf32, #tpu.memory_space<hbm>>
    tpu.enqueue_indirect_dma source(%dma_start3A_9 : memref<4096x64xf32, #tpu.memory_space<hbm>>) target(%dma_start3A_3 : memref<128x64xf32, #tpu.memory_space<vmem>>) offsets(%dma_start3A_6 : memref<128xi32, #tpu.memory_space<vmem>>) semaphore(%arg7 : memref<!tpu.dma_semaphore, #tpu.memory_space<semaphore_mem>>)
    %dma_start3A_10 = arith.constant 1 : i32
    %dma_start3A_11 = arith.constant 128 : i32
    %dma_start3A_12 = arith.constant 0 : i32
    %dma_start3A_13 = tpu.memref_slice %arg6[%dma_start3A_11, %dma_start3A_12] : memref<1152x64xf32, #tpu.memory_space<vmem>> -> memref<128x64xf32, #tpu.memory_space<vmem>>
    %dma_start3A_14 = arith.constant 0 : i32
    %dma_start3A_15 = tpu.memref_slice %arg5[%dma_start3A_10, %dma_start3A_14] : memref<9x128xi32, #tpu.memory_space<vmem>> -> memref<1x128xi32, #tpu.memory_space<vmem>>
    %dma_start3A_16 = tpu.memref_squeeze %dma_start3A_15 : memref<1x128xi32, #tpu.memory_space<vmem>> -> memref<128xi32, #tpu.memory_space<vmem>>
    %dma_start3A_17 = arith.constant 0 : i32
    %dma_start3A_18 = arith.constant 0 : i32
    %dma_start3A_19 = tpu.memref_slice %arg2[%dma_start3A_17, %dma_start3A_18] : memref<4096x64xf32, #tpu.memory_space<hbm>> -> memref<4096x64xf32, #tpu.memory_space<hbm>>
    tpu.enqueue_indirect_dma source(%dma_start3A_19 : memref<4096x64xf32, #tpu.memory_space<hbm>>) target(%dma_start3A_13 : memref<128x64xf32, #tpu.memory_space<vmem>>) offsets(%dma_start3A_16 : memref<128xi32, #tpu.memory_space<vmem>>) semaphore(%arg7 : memref<!tpu.dma_semaphore, #tpu.memory_space<semaphore_mem>>)
    %dma_start3A_20 = arith.constant 2 : i32
    %dma_start3A_21 = arith.constant 256 : i32
    %dma_start3A_22 = arith.constant 0 : i32
    %dma_start3A_23 = tpu.memref_slice %arg6[%dma_start3A_21, %dma_start3A_22] : memref<1152x64xf32, #tpu.memory_space<vmem>> -> memref<128x64xf32, #tpu.memory_space<vmem>>
    %dma_start3A_24 = arith.constant 0 : i32
    %dma_start3A_25 = tpu.memref_slice %arg5[%dma_start3A_20, %dma_start3A_24] : memref<9x128xi32, #tpu.memory_space<vmem>> -> memref<1x128xi32, #tpu.memory_space<vmem>>
    %dma_start3A_26 = tpu.memref_squeeze %dma_start3A_25 : memref<1x128xi32, #tpu.memory_space<vmem>> -> memref<128xi32, #tpu.memory_space<vmem>>
    %dma_start3A_27 = arith.constant 0 : i32
    %dma_start3A_28 = arith.constant 0 : i32
    %dma_start3A_29 = tpu.memref_slice %arg2[%dma_start3A_27, %dma_start3A_28] : memref<4096x64xf32, #tpu.memory_space<hbm>> -> memref<4096x64xf32, #tpu.memory_space<hbm>>
    tpu.enqueue_indirect_dma source(%dma_start3A_29 : memref<4096x64xf32, #tpu.memory_space<hbm>>) target(%dma_start3A_23 : memref<128x64xf32, #tpu.memory_space<vmem>>) offsets(%dma_start3A_26 : memref<128xi32, #tpu.memory_space<vmem>>) semaphore(%arg7 : memref<!tpu.dma_semaphore, #tpu.memory_space<semaphore_mem>>)
    %dma_start3A_30 = arith.constant 3 : i32
    %dma_start3A_31 = arith.constant 384 : i32
    %dma_start3A_32 = arith.constant 0 : i32
    %dma_start3A_33 = tpu.memref_slice %arg6[%dma_start3A_31, %dma_start3A_32] : memref<1152x64xf32, #tpu.memory_space<vmem>> -> memref<128x64xf32, #tpu.memory_space<vmem>>
    %dma_start3A_34 = arith.constant 0 : i32
    %dma_start3A_35 = tpu.memref_slice %arg5[%dma_start3A_30, %dma_start3A_34] : memref<9x128xi32, #tpu.memory_space<vmem>> -> memref<1x128xi32, #tpu.memory_space<vmem>>
    %dma_start3A_36 = tpu.memref_squeeze %dma_start3A_35 : memref<1x128xi32, #tpu.memory_space<vmem>> -> memref<128xi32, #tpu.memory_space<vmem>>
    %dma_start3A_37 = arith.constant 0 : i32
    %dma_start3A_38 = arith.constant 0 : i32
    %dma_start3A_39 = tpu.memref_slice %arg2[%dma_start3A_37, %dma_start3A_38] : memref<4096x64xf32, #tpu.memory_space<hbm>> -> memref<4096x64xf32, #tpu.memory_space<hbm>>
    tpu.enqueue_indirect_dma source(%dma_start3A_39 : memref<4096x64xf32, #tpu.memory_space<hbm>>) target(%dma_start3A_33 : memref<128x64xf32, #tpu.memory_space<vmem>>) offsets(%dma_start3A_36 : memref<128xi32, #tpu.memory_space<vmem>>) semaphore(%arg7 : memref<!tpu.dma_semaphore, #tpu.memory_space<semaphore_mem>>)
    %dma_start3A_40 = arith.constant 4 : i32
    %dma_start3A_41 = arith.constant 512 : i32
    %dma_start3A_42 = arith.constant 0 : i32
    %dma_start3A_43 = tpu.memref_slice %arg6[%dma_start3A_41, %dma_start3A_42] : memref<1152x64xf32, #tpu.memory_space<vmem>> -> memref<128x64xf32, #tpu.memory_space<vmem>>
    %dma_start3A_44 = arith.constant 0 : i32
    %dma_start3A_45 = tpu.memref_slice %arg5[%dma_start3A_40, %dma_start3A_44] : memref<9x128xi32, #tpu.memory_space<vmem>> -> memref<1x128xi32, #tpu.memory_space<vmem>>
    %dma_start3A_46 = tpu.memref_squeeze %dma_start3A_45 : memref<1x128xi32, #tpu.memory_space<vmem>> -> memref<128xi32, #tpu.memory_space<vmem>>
    %dma_start3A_47 = arith.constant 0 : i32
    %dma_start3A_48 = arith.constant 0 : i32
    %dma_start3A_49 = tpu.memref_slice %arg2[%dma_start3A_47, %dma_start3A_48] : memref<4096x64xf32, #tpu.memory_space<hbm>> -> memref<4096x64xf32, #tpu.memory_space<hbm>>
    tpu.enqueue_indirect_dma source(%dma_start3A_49 : memref<4096x64xf32, #tpu.memory_space<hbm>>) target(%dma_start3A_43 : memref<128x64xf32, #tpu.memory_space<vmem>>) offsets(%dma_start3A_46 : memref<128xi32, #tpu.memory_space<vmem>>) semaphore(%arg7 : memref<!tpu.dma_semaphore, #tpu.memory_space<semaphore_mem>>)
    %dma_start3A_50 = arith.constant 5 : i32
    %dma_start3A_51 = arith.constant 640 : i32
    %dma_start3A_52 = arith.constant 0 : i32
    %dma_start3A_53 = tpu.memref_slice %arg6[%dma_start3A_51, %dma_start3A_52] : memref<1152x64xf32, #tpu.memory_space<vmem>> -> memref<128x64xf32, #tpu.memory_space<vmem>>
    %dma_start3A_54 = arith.constant 0 : i32
    %dma_start3A_55 = tpu.memref_slice %arg5[%dma_start3A_50, %dma_start3A_54] : memref<9x128xi32, #tpu.memory_space<vmem>> -> memref<1x128xi32, #tpu.memory_space<vmem>>
    %dma_start3A_56 = tpu.memref_squeeze %dma_start3A_55 : memref<1x128xi32, #tpu.memory_space<vmem>> -> memref<128xi32, #tpu.memory_space<vmem>>
    %dma_start3A_57 = arith.constant 0 : i32
    %dma_start3A_58 = arith.constant 0 : i32
    %dma_start3A_59 = tpu.memref_slice %arg2[%dma_start3A_57, %dma_start3A_58] : memref<4096x64xf32, #tpu.memory_space<hbm>> -> memref<4096x64xf32, #tpu.memory_space<hbm>>
    tpu.enqueue_indirect_dma source(%dma_start3A_59 : memref<4096x64xf32, #tpu.memory_space<hbm>>) target(%dma_start3A_53 : memref<128x64xf32, #tpu.memory_space<vmem>>) offsets(%dma_start3A_56 : memref<128xi32, #tpu.memory_space<vmem>>) semaphore(%arg7 : memref<!tpu.dma_semaphore, #tpu.memory_space<semaphore_mem>>)
    %dma_start3A_60 = arith.constant 6 : i32
    %dma_start3A_61 = arith.constant 768 : i32
    %dma_start3A_62 = arith.constant 0 : i32
    %dma_start3A_63 = tpu.memref_slice %arg6[%dma_start3A_61, %dma_start3A_62] : memref<1152x64xf32, #tpu.memory_space<vmem>> -> memref<128x64xf32, #tpu.memory_space<vmem>>
    %dma_start3A_64 = arith.constant 0 : i32
    %dma_start3A_65 = tpu.memref_slice %arg5[%dma_start3A_60, %dma_start3A_64] : memref<9x128xi32, #tpu.memory_space<vmem>> -> memref<1x128xi32, #tpu.memory_space<vmem>>
    %dma_start3A_66 = tpu.memref_squeeze %dma_start3A_65 : memref<1x128xi32, #tpu.memory_space<vmem>> -> memref<128xi32, #tpu.memory_space<vmem>>
    %dma_start3A_67 = arith.constant 0 : i32
    %dma_start3A_68 = arith.constant 0 : i32
    %dma_start3A_69 = tpu.memref_slice %arg2[%dma_start3A_67, %dma_start3A_68] : memref<4096x64xf32, #tpu.memory_space<hbm>> -> memref<4096x64xf32, #tpu.memory_space<hbm>>
    tpu.enqueue_indirect_dma source(%dma_start3A_69 : memref<4096x64xf32, #tpu.memory_space<hbm>>) target(%dma_start3A_63 : memref<128x64xf32, #tpu.memory_space<vmem>>) offsets(%dma_start3A_66 : memref<128xi32, #tpu.memory_space<vmem>>) semaphore(%arg7 : memref<!tpu.dma_semaphore, #tpu.memory_space<semaphore_mem>>)
    %dma_start3A_70 = arith.constant 7 : i32
    %dma_start3A_71 = arith.constant 896 : i32
    %dma_start3A_72 = arith.constant 0 : i32
    %dma_start3A_73 = tpu.memref_slice %arg6[%dma_start3A_71, %dma_start3A_72] : memref<1152x64xf32, #tpu.memory_space<vmem>> -> memref<128x64xf32, #tpu.memory_space<vmem>>
    %dma_start3A_74 = arith.constant 0 : i32
    %dma_start3A_75 = tpu.memref_slice %arg5[%dma_start3A_70, %dma_start3A_74] : memref<9x128xi32, #tpu.memory_space<vmem>> -> memref<1x128xi32, #tpu.memory_space<vmem>>
    %dma_start3A_76 = tpu.memref_squeeze %dma_start3A_75 : memref<1x128xi32, #tpu.memory_space<vmem>> -> memref<128xi32, #tpu.memory_space<vmem>>
    %dma_start3A_77 = arith.constant 0 : i32
    %dma_start3A_78 = arith.constant 0 : i32
    %dma_start3A_79 = tpu.memref_slice %arg2[%dma_start3A_77, %dma_start3A_78] : memref<4096x64xf32, #tpu.memory_space<hbm>> -> memref<4096x64xf32, #tpu.memory_space<hbm>>
    tpu.enqueue_indirect_dma source(%dma_start3A_79 : memref<4096x64xf32, #tpu.memory_space<hbm>>) target(%dma_start3A_73 : memref<128x64xf32, #tpu.memory_space<vmem>>) offsets(%dma_start3A_76 : memref<128xi32, #tpu.memory_space<vmem>>) semaphore(%arg7 : memref<!tpu.dma_semaphore, #tpu.memory_space<semaphore_mem>>)
    %dma_start3A_80 = arith.constant 8 : i32
    %dma_start3A_81 = arith.constant 1024 : i32
    %dma_start3A_82 = arith.constant 0 : i32
    %dma_start3A_83 = tpu.memref_slice %arg6[%dma_start3A_81, %dma_start3A_82] : memref<1152x64xf32, #tpu.memory_space<vmem>> -> memref<128x64xf32, #tpu.memory_space<vmem>>
    %dma_start3A_84 = arith.constant 0 : i32
    %dma_start3A_85 = tpu.memref_slice %arg5[%dma_start3A_80, %dma_start3A_84] : memref<9x128xi32, #tpu.memory_space<vmem>> -> memref<1x128xi32, #tpu.memory_space<vmem>>
    %dma_start3A_86 = tpu.memref_squeeze %dma_start3A_85 : memref<1x128xi32, #tpu.memory_space<vmem>> -> memref<128xi32, #tpu.memory_space<vmem>>
    %dma_start3A_87 = arith.constant 0 : i32
    %dma_start3A_88 = arith.constant 0 : i32
    %dma_start3A_89 = tpu.memref_slice %arg2[%dma_start3A_87, %dma_start3A_88] : memref<4096x64xf32, #tpu.memory_space<hbm>> -> memref<4096x64xf32, #tpu.memory_space<hbm>>
    tpu.enqueue_indirect_dma source(%dma_start3A_89 : memref<4096x64xf32, #tpu.memory_space<hbm>>) target(%dma_start3A_83 : memref<128x64xf32, #tpu.memory_space<vmem>>) offsets(%dma_start3A_86 : memref<128xi32, #tpu.memory_space<vmem>>) semaphore(%arg7 : memref<!tpu.dma_semaphore, #tpu.memory_space<semaphore_mem>>)
    %dma_wait3A = arith.constant 0 : i32
    %dma_wait3A_90 = arith.constant 0 : i32
    %dma_wait3A_91 = arith.constant 0 : i32
    %dma_wait3A_92 = tpu.memref_slice %arg6[%dma_wait3A_90, %dma_wait3A_91] : memref<1152x64xf32, #tpu.memory_space<vmem>> -> memref<128x64xf32, #tpu.memory_space<vmem>>
    %dma_wait3A_93 = arith.constant 0 : i32
    %dma_wait3A_94 = tpu.memref_slice %arg5[%dma_wait3A, %dma_wait3A_93] : memref<9x128xi32, #tpu.memory_space<vmem>> -> memref<1x128xi32, #tpu.memory_space<vmem>>
    %dma_wait3A_95 = tpu.memref_squeeze %dma_wait3A_94 : memref<1x128xi32, #tpu.memory_space<vmem>> -> memref<128xi32, #tpu.memory_space<vmem>>
    %dma_wait3A_96 = arith.constant 0 : i32
    %dma_wait3A_97 = arith.constant 0 : i32
    %dma_wait3A_98 = tpu.memref_slice %arg2[%dma_wait3A_96, %dma_wait3A_97] : memref<4096x64xf32, #tpu.memory_space<hbm>> -> memref<4096x64xf32, #tpu.memory_space<hbm>>
    tpu.wait_indirect_dma semaphore(%arg7 : memref<!tpu.dma_semaphore, #tpu.memory_space<semaphore_mem>>) src(%dma_wait3A_98 : memref<4096x64xf32, #tpu.memory_space<hbm>>) dst(%dma_wait3A_92 : memref<128x64xf32, #tpu.memory_space<vmem>>)
    %dma_wait3A_99 = arith.constant 1 : i32
    %dma_wait3A_100 = arith.constant 128 : i32
    %dma_wait3A_101 = arith.constant 0 : i32
    %dma_wait3A_102 = tpu.memref_slice %arg6[%dma_wait3A_100, %dma_wait3A_101] : memref<1152x64xf32, #tpu.memory_space<vmem>> -> memref<128x64xf32, #tpu.memory_space<vmem>>
    %dma_wait3A_103 = arith.constant 0 : i32
    %dma_wait3A_104 = tpu.memref_slice %arg5[%dma_wait3A_99, %dma_wait3A_103] : memref<9x128xi32, #tpu.memory_space<vmem>> -> memref<1x128xi32, #tpu.memory_space<vmem>>
    %dma_wait3A_105 = tpu.memref_squeeze %dma_wait3A_104 : memref<1x128xi32, #tpu.memory_space<vmem>> -> memref<128xi32, #tpu.memory_space<vmem>>
    %dma_wait3A_106 = arith.constant 0 : i32
    %dma_wait3A_107 = arith.constant 0 : i32
    %dma_wait3A_108 = tpu.memref_slice %arg2[%dma_wait3A_106, %dma_wait3A_107] : memref<4096x64xf32, #tpu.memory_space<hbm>> -> memref<4096x64xf32, #tpu.memory_space<hbm>>
    tpu.wait_indirect_dma semaphore(%arg7 : memref<!tpu.dma_semaphore, #tpu.memory_space<semaphore_mem>>) src(%dma_wait3A_108 : memref<4096x64xf32, #tpu.memory_space<hbm>>) dst(%dma_wait3A_102 : memref<128x64xf32, #tpu.memory_space<vmem>>)
    %dma_wait3A_109 = arith.constant 2 : i32
    %dma_wait3A_110 = arith.constant 256 : i32
    %dma_wait3A_111 = arith.constant 0 : i32
    %dma_wait3A_112 = tpu.memref_slice %arg6[%dma_wait3A_110, %dma_wait3A_111] : memref<1152x64xf32, #tpu.memory_space<vmem>> -> memref<128x64xf32, #tpu.memory_space<vmem>>
    %dma_wait3A_113 = arith.constant 0 : i32
    %dma_wait3A_114 = tpu.memref_slice %arg5[%dma_wait3A_109, %dma_wait3A_113] : memref<9x128xi32, #tpu.memory_space<vmem>> -> memref<1x128xi32, #tpu.memory_space<vmem>>
    %dma_wait3A_115 = tpu.memref_squeeze %dma_wait3A_114 : memref<1x128xi32, #tpu.memory_space<vmem>> -> memref<128xi32, #tpu.memory_space<vmem>>
    %dma_wait3A_116 = arith.constant 0 : i32
    %dma_wait3A_117 = arith.constant 0 : i32
    %dma_wait3A_118 = tpu.memref_slice %arg2[%dma_wait3A_116, %dma_wait3A_117] : memref<4096x64xf32, #tpu.memory_space<hbm>> -> memref<4096x64xf32, #tpu.memory_space<hbm>>
    tpu.wait_indirect_dma semaphore(%arg7 : memref<!tpu.dma_semaphore, #tpu.memory_space<semaphore_mem>>) src(%dma_wait3A_118 : memref<4096x64xf32, #tpu.memory_space<hbm>>) dst(%dma_wait3A_112 : memref<128x64xf32, #tpu.memory_space<vmem>>)
    %dma_wait3A_119 = arith.constant 3 : i32
    %dma_wait3A_120 = arith.constant 384 : i32
    %dma_wait3A_121 = arith.constant 0 : i32
    %dma_wait3A_122 = tpu.memref_slice %arg6[%dma_wait3A_120, %dma_wait3A_121] : memref<1152x64xf32, #tpu.memory_space<vmem>> -> memref<128x64xf32, #tpu.memory_space<vmem>>
    %dma_wait3A_123 = arith.constant 0 : i32
    %dma_wait3A_124 = tpu.memref_slice %arg5[%dma_wait3A_119, %dma_wait3A_123] : memref<9x128xi32, #tpu.memory_space<vmem>> -> memref<1x128xi32, #tpu.memory_space<vmem>>
    %dma_wait3A_125 = tpu.memref_squeeze %dma_wait3A_124 : memref<1x128xi32, #tpu.memory_space<vmem>> -> memref<128xi32, #tpu.memory_space<vmem>>
    %dma_wait3A_126 = arith.constant 0 : i32
    %dma_wait3A_127 = arith.constant 0 : i32
    %dma_wait3A_128 = tpu.memref_slice %arg2[%dma_wait3A_126, %dma_wait3A_127] : memref<4096x64xf32, #tpu.memory_space<hbm>> -> memref<4096x64xf32, #tpu.memory_space<hbm>>
    tpu.wait_indirect_dma semaphore(%arg7 : memref<!tpu.dma_semaphore, #tpu.memory_space<semaphore_mem>>) src(%dma_wait3A_128 : memref<4096x64xf32, #tpu.memory_space<hbm>>) dst(%dma_wait3A_122 : memref<128x64xf32, #tpu.memory_space<vmem>>)
    %mul3A_129 = arith.constant 1152 : i32
    %mul3A_130 = arith.muli %add3A, %mul3A_129 : i32
    %dma_start3A_131 = arith.constant 0 : i32
    %dma_start3A_132 = arith.constant 0 : i32
    %dma_start3A_133 = tpu.memref_slice %arg6[%dma_start3A_131, %dma_start3A_132] : memref<1152x64xf32, #tpu.memory_space<vmem>> -> memref<512x64xf32, #tpu.memory_space<vmem>>
    %dma_start3A_134 = arith.constant 0 : i32
    %dma_start3A_135 = tpu.memref_slice %arg4[%mul3A_130, %dma_start3A_134] : memref<36864x64xf32, #tpu.memory_space<hbm>> -> memref<512x64xf32, #tpu.memory_space<hbm>>
    %dma_start3A_136 = arith.constant 0 : i32
    %dma_start3A_137 = tpu.memref_slice %arg4[%mul3A_130, %dma_start3A_136] : memref<36864x64xf32, #tpu.memory_space<hbm>> -> memref<512x64xf32, #tpu.memory_space<hbm>>
    %dma_start3A_138 = arith.constant 0 : i32
    %dma_start3A_139 = arith.constant 0 : i32
    %dma_start3A_140 = tpu.memref_slice %arg6[%dma_start3A_138, %dma_start3A_139] : memref<1152x64xf32, #tpu.memory_space<vmem>> -> memref<512x64xf32, #tpu.memory_space<vmem>>
    tpu.enqueue_dma source(%dma_start3A_140 : memref<512x64xf32, #tpu.memory_space<vmem>>) target(%dma_start3A_137 : memref<512x64xf32, #tpu.memory_space<hbm>>) target_semaphore(%arg8 : memref<!tpu.dma_semaphore, #tpu.memory_space<semaphore_mem>>)
    %dma_wait3A_141 = arith.constant 4 : i32
    %dma_wait3A_142 = arith.constant 512 : i32
    %dma_wait3A_143 = arith.constant 0 : i32
    %dma_wait3A_144 = tpu.memref_slice %arg6[%dma_wait3A_142, %dma_wait3A_143] : memref<1152x64xf32, #tpu.memory_space<vmem>> -> memref<128x64xf32, #tpu.memory_space<vmem>>
    %dma_wait3A_145 = arith.constant 0 : i32
    %dma_wait3A_146 = tpu.memref_slice %arg5[%dma_wait3A_141, %dma_wait3A_145] : memref<9x128xi32, #tpu.memory_space<vmem>> -> memref<1x128xi32, #tpu.memory_space<vmem>>
    %dma_wait3A_147 = tpu.memref_squeeze %dma_wait3A_146 : memref<1x128xi32, #tpu.memory_space<vmem>> -> memref<128xi32, #tpu.memory_space<vmem>>
    %dma_wait3A_148 = arith.constant 0 : i32
    %dma_wait3A_149 = arith.constant 0 : i32
    %dma_wait3A_150 = tpu.memref_slice %arg2[%dma_wait3A_148, %dma_wait3A_149] : memref<4096x64xf32, #tpu.memory_space<hbm>> -> memref<4096x64xf32, #tpu.memory_space<hbm>>
    tpu.wait_indirect_dma semaphore(%arg7 : memref<!tpu.dma_semaphore, #tpu.memory_space<semaphore_mem>>) src(%dma_wait3A_150 : memref<4096x64xf32, #tpu.memory_space<hbm>>) dst(%dma_wait3A_144 : memref<128x64xf32, #tpu.memory_space<vmem>>)
    %dma_wait3A_151 = arith.constant 5 : i32
    %dma_wait3A_152 = arith.constant 640 : i32
    %dma_wait3A_153 = arith.constant 0 : i32
    %dma_wait3A_154 = tpu.memref_slice %arg6[%dma_wait3A_152, %dma_wait3A_153] : memref<1152x64xf32, #tpu.memory_space<vmem>> -> memref<128x64xf32, #tpu.memory_space<vmem>>
    %dma_wait3A_155 = arith.constant 0 : i32
    %dma_wait3A_156 = tpu.memref_slice %arg5[%dma_wait3A_151, %dma_wait3A_155] : memref<9x128xi32, #tpu.memory_space<vmem>> -> memref<1x128xi32, #tpu.memory_space<vmem>>
    %dma_wait3A_157 = tpu.memref_squeeze %dma_wait3A_156 : memref<1x128xi32, #tpu.memory_space<vmem>> -> memref<128xi32, #tpu.memory_space<vmem>>
    %dma_wait3A_158 = arith.constant 0 : i32
    %dma_wait3A_159 = arith.constant 0 : i32
    %dma_wait3A_160 = tpu.memref_slice %arg2[%dma_wait3A_158, %dma_wait3A_159] : memref<4096x64xf32, #tpu.memory_space<hbm>> -> memref<4096x64xf32, #tpu.memory_space<hbm>>
    tpu.wait_indirect_dma semaphore(%arg7 : memref<!tpu.dma_semaphore, #tpu.memory_space<semaphore_mem>>) src(%dma_wait3A_160 : memref<4096x64xf32, #tpu.memory_space<hbm>>) dst(%dma_wait3A_154 : memref<128x64xf32, #tpu.memory_space<vmem>>)
    %dma_wait3A_161 = arith.constant 6 : i32
    %dma_wait3A_162 = arith.constant 768 : i32
    %dma_wait3A_163 = arith.constant 0 : i32
    %dma_wait3A_164 = tpu.memref_slice %arg6[%dma_wait3A_162, %dma_wait3A_163] : memref<1152x64xf32, #tpu.memory_space<vmem>> -> memref<128x64xf32, #tpu.memory_space<vmem>>
    %dma_wait3A_165 = arith.constant 0 : i32
    %dma_wait3A_166 = tpu.memref_slice %arg5[%dma_wait3A_161, %dma_wait3A_165] : memref<9x128xi32, #tpu.memory_space<vmem>> -> memref<1x128xi32, #tpu.memory_space<vmem>>
    %dma_wait3A_167 = tpu.memref_squeeze %dma_wait3A_166 : memref<1x128xi32, #tpu.memory_space<vmem>> -> memref<128xi32, #tpu.memory_space<vmem>>
    %dma_wait3A_168 = arith.constant 0 : i32
    %dma_wait3A_169 = arith.constant 0 : i32
    %dma_wait3A_170 = tpu.memref_slice %arg2[%dma_wait3A_168, %dma_wait3A_169] : memref<4096x64xf32, #tpu.memory_space<hbm>> -> memref<4096x64xf32, #tpu.memory_space<hbm>>
    tpu.wait_indirect_dma semaphore(%arg7 : memref<!tpu.dma_semaphore, #tpu.memory_space<semaphore_mem>>) src(%dma_wait3A_170 : memref<4096x64xf32, #tpu.memory_space<hbm>>) dst(%dma_wait3A_164 : memref<128x64xf32, #tpu.memory_space<vmem>>)
    %dma_wait3A_171 = arith.constant 7 : i32
    %dma_wait3A_172 = arith.constant 896 : i32
    %dma_wait3A_173 = arith.constant 0 : i32
    %dma_wait3A_174 = tpu.memref_slice %arg6[%dma_wait3A_172, %dma_wait3A_173] : memref<1152x64xf32, #tpu.memory_space<vmem>> -> memref<128x64xf32, #tpu.memory_space<vmem>>
    %dma_wait3A_175 = arith.constant 0 : i32
    %dma_wait3A_176 = tpu.memref_slice %arg5[%dma_wait3A_171, %dma_wait3A_175] : memref<9x128xi32, #tpu.memory_space<vmem>> -> memref<1x128xi32, #tpu.memory_space<vmem>>
    %dma_wait3A_177 = tpu.memref_squeeze %dma_wait3A_176 : memref<1x128xi32, #tpu.memory_space<vmem>> -> memref<128xi32, #tpu.memory_space<vmem>>
    %dma_wait3A_178 = arith.constant 0 : i32
    %dma_wait3A_179 = arith.constant 0 : i32
    %dma_wait3A_180 = tpu.memref_slice %arg2[%dma_wait3A_178, %dma_wait3A_179] : memref<4096x64xf32, #tpu.memory_space<hbm>> -> memref<4096x64xf32, #tpu.memory_space<hbm>>
    tpu.wait_indirect_dma semaphore(%arg7 : memref<!tpu.dma_semaphore, #tpu.memory_space<semaphore_mem>>) src(%dma_wait3A_180 : memref<4096x64xf32, #tpu.memory_space<hbm>>) dst(%dma_wait3A_174 : memref<128x64xf32, #tpu.memory_space<vmem>>)
    %dma_wait3A_181 = arith.constant 8 : i32
    %dma_wait3A_182 = arith.constant 1024 : i32
    %dma_wait3A_183 = arith.constant 0 : i32
    %dma_wait3A_184 = tpu.memref_slice %arg6[%dma_wait3A_182, %dma_wait3A_183] : memref<1152x64xf32, #tpu.memory_space<vmem>> -> memref<128x64xf32, #tpu.memory_space<vmem>>
    %dma_wait3A_185 = arith.constant 0 : i32
    %dma_wait3A_186 = tpu.memref_slice %arg5[%dma_wait3A_181, %dma_wait3A_185] : memref<9x128xi32, #tpu.memory_space<vmem>> -> memref<1x128xi32, #tpu.memory_space<vmem>>
    %dma_wait3A_187 = tpu.memref_squeeze %dma_wait3A_186 : memref<1x128xi32, #tpu.memory_space<vmem>> -> memref<128xi32, #tpu.memory_space<vmem>>
    %dma_wait3A_188 = arith.constant 0 : i32
    %dma_wait3A_189 = arith.constant 0 : i32
    %dma_wait3A_190 = tpu.memref_slice %arg2[%dma_wait3A_188, %dma_wait3A_189] : memref<4096x64xf32, #tpu.memory_space<hbm>> -> memref<4096x64xf32, #tpu.memory_space<hbm>>
    tpu.wait_indirect_dma semaphore(%arg7 : memref<!tpu.dma_semaphore, #tpu.memory_space<semaphore_mem>>) src(%dma_wait3A_190 : memref<4096x64xf32, #tpu.memory_space<hbm>>) dst(%dma_wait3A_184 : memref<128x64xf32, #tpu.memory_space<vmem>>)
    %mul3A_191 = arith.constant 1152 : i32
    %mul3A_192 = arith.muli %add3A, %mul3A_191 : i32
    %add3A_193 = arith.constant 512 : i32
    %add3A_194 = arith.addi %mul3A_192, %add3A_193 : i32
    %dma_start3A_195 = arith.constant 512 : i32
    %dma_start3A_196 = arith.constant 0 : i32
    %dma_start3A_197 = tpu.memref_slice %arg6[%dma_start3A_195, %dma_start3A_196] : memref<1152x64xf32, #tpu.memory_space<vmem>> -> memref<640x64xf32, #tpu.memory_space<vmem>>
    %dma_start3A_198 = arith.constant 0 : i32
    %dma_start3A_199 = tpu.memref_slice %arg4[%add3A_194, %dma_start3A_198] : memref<36864x64xf32, #tpu.memory_space<hbm>> -> memref<640x64xf32, #tpu.memory_space<hbm>>
    %dma_start3A_200 = arith.constant 0 : i32
    %dma_start3A_201 = tpu.memref_slice %arg4[%add3A_194, %dma_start3A_200] : memref<36864x64xf32, #tpu.memory_space<hbm>> -> memref<640x64xf32, #tpu.memory_space<hbm>>
    %dma_start3A_202 = arith.constant 512 : i32
    %dma_start3A_203 = arith.constant 0 : i32
    %dma_start3A_204 = tpu.memref_slice %arg6[%dma_start3A_202, %dma_start3A_203] : memref<1152x64xf32, #tpu.memory_space<vmem>> -> memref<640x64xf32, #tpu.memory_space<vmem>>
    tpu.enqueue_dma source(%dma_start3A_204 : memref<640x64xf32, #tpu.memory_space<vmem>>) target(%dma_start3A_201 : memref<640x64xf32, #tpu.memory_space<hbm>>) target_semaphore(%arg8 : memref<!tpu.dma_semaphore, #tpu.memory_space<semaphore_mem>>)
    %dma_wait3A_205 = arith.constant 0 : i32
    %dma_wait3A_206 = arith.constant 0 : i32
    %dma_wait3A_207 = tpu.memref_slice %arg6[%dma_wait3A_205, %dma_wait3A_206] : memref<1152x64xf32, #tpu.memory_space<vmem>> -> memref<512x64xf32, #tpu.memory_space<vmem>>
    %dma_wait3A_208 = arith.constant 0 : i32
    %dma_wait3A_209 = tpu.memref_slice %arg4[%mul3A_130, %dma_wait3A_208] : memref<36864x64xf32, #tpu.memory_space<hbm>> -> memref<512x64xf32, #tpu.memory_space<hbm>>
    %dma_wait3A_210 = arith.constant 0 : i32
    %dma_wait3A_211 = tpu.memref_slice %arg4[%mul3A_130, %dma_wait3A_210] : memref<36864x64xf32, #tpu.memory_space<hbm>> -> memref<512x64xf32, #tpu.memory_space<hbm>>
    %dma_wait3A_212 = arith.constant 0 : i32
    %dma_wait3A_213 = arith.constant 0 : i32
    %dma_wait3A_214 = tpu.memref_slice %arg6[%dma_wait3A_212, %dma_wait3A_213] : memref<1152x64xf32, #tpu.memory_space<vmem>> -> memref<512x64xf32, #tpu.memory_space<vmem>>
    tpu.wait_dma2 semaphore(%arg8 : memref<!tpu.dma_semaphore, #tpu.memory_space<semaphore_mem>>) src(%dma_wait3A_214 : memref<512x64xf32, #tpu.memory_space<vmem>>) dst(%dma_wait3A_211 : memref<512x64xf32, #tpu.memory_space<hbm>>)
    %dma_wait3A_215 = arith.constant 512 : i32
    %dma_wait3A_216 = arith.constant 0 : i32
    %dma_wait3A_217 = tpu.memref_slice %arg6[%dma_wait3A_215, %dma_wait3A_216] : memref<1152x64xf32, #tpu.memory_space<vmem>> -> memref<640x64xf32, #tpu.memory_space<vmem>>
    %dma_wait3A_218 = arith.constant 0 : i32
    %dma_wait3A_219 = tpu.memref_slice %arg4[%add3A_194, %dma_wait3A_218] : memref<36864x64xf32, #tpu.memory_space<hbm>> -> memref<640x64xf32, #tpu.memory_space<hbm>>
    %dma_wait3A_220 = arith.constant 0 : i32
    %dma_wait3A_221 = tpu.memref_slice %arg4[%add3A_194, %dma_wait3A_220] : memref<36864x64xf32, #tpu.memory_space<hbm>> -> memref<640x64xf32, #tpu.memory_space<hbm>>
    %dma_wait3A_222 = arith.constant 512 : i32
    %dma_wait3A_223 = arith.constant 0 : i32
    %dma_wait3A_224 = tpu.memref_slice %arg6[%dma_wait3A_222, %dma_wait3A_223] : memref<1152x64xf32, #tpu.memory_space<vmem>> -> memref<640x64xf32, #tpu.memory_space<vmem>>
    tpu.wait_dma2 semaphore(%arg8 : memref<!tpu.dma_semaphore, #tpu.memory_space<semaphore_mem>>) src(%dma_wait3A_224 : memref<640x64xf32, #tpu.memory_space<vmem>>) dst(%dma_wait3A_221 : memref<640x64xf32, #tpu.memory_space<hbm>>)
    return
  }
}

module attributes {stable_mosaic.version = 14 : i64} {
  func.func @_dist_argmax_body(%arg0: i32, %arg1: memref<2304x256xf32, #tpu.memory_space<vmem>>, %arg2: memref<4x1024x64xf32, #tpu.memory_space<vmem>>, %arg3: memref<2304x4xi32, #tpu.memory_space<vmem>>, %arg4: memref<2304x4xi32, #tpu.memory_space<vmem>>, %arg5: memref<4x1x1024xf32, #tpu.memory_space<vmem>>) attributes {dimension_semantics = [#tpu.dimension_semantics<arbitrary>], iteration_bounds = array<i64: 4>, scalar_prefetch = 0 : i64, scratch_operands = 1 : i64, tpu.core_type = #tpu.core_type<tc>, window_params = [{transform_indices = @transform_0, window_bounds = array<i64: 2304, 256>}, {pipeline_mode = #tpu.pipeline_mode<synchronous>, transform_indices = @transform_1, window_bounds = array<i64: 4, 1024, 64>}, {transform_indices = @transform_2, window_bounds = array<i64: 2304, 4>}, {transform_indices = @transform_3, window_bounds = array<i64: 2304, 4>}]} {
    %eq3A = arith.constant 0 : i32
    %eq3A_0 = arith.cmpi eq, %arg0, %eq3A : i32
    %convert_element_type3A = arith.extui %eq3A_0 : i1 to i32
    %cond3A = arith.constant 0 : i32
    %cond3A_1 = arith.cmpi ne, %convert_element_type3A, %cond3A : i32
    scf.if %cond3A_1 {
      %get3A_163 = arith.constant 0 : index
      %get3A_164 = arith.constant 0 : index
      %get3A_165 = arith.constant 0 : index
      %get3A_166 = vector.load %arg2[%get3A_163, %get3A_164, %get3A_165] : memref<4x1024x64xf32, #tpu.memory_space<vmem>>, vector<1x1024x64xf32>
      %get3A_167 = vector.shape_cast %get3A_166 : vector<1x1024x64xf32> to vector<1024x64xf32>
      %integer_pow3A_168 = arith.mulf %get3A_167, %get3A_167 : vector<1024x64xf32>
      %reduce_sum3A_169 = arith.constant dense<0.000000e+00> : vector<1024xf32>
      %reduce_sum3A_170 = vector.multi_reduction <add>, %integer_pow3A_168, %reduce_sum3A_169 [1] : vector<1024x64xf32> to vector<1024xf32>
      %broadcast_in_dim3A_171 = vector.shape_cast %reduce_sum3A_170 : vector<1024xf32> to vector<1x1024xf32>
      %swap3A_172 = arith.constant 0 : index
      %swap3A_173 = arith.constant 0 : index
      %swap3A_174 = arith.constant 0 : index
      %swap3A_175 = vector.load %arg5[%swap3A_172, %swap3A_173, %swap3A_174] : memref<4x1x1024xf32, #tpu.memory_space<vmem>>, vector<1x1x1024xf32>
      %swap3A_176 = vector.shape_cast %swap3A_175 : vector<1x1x1024xf32> to vector<1x1024xf32>
      %swap3A_177 = vector.shape_cast %broadcast_in_dim3A_171 : vector<1x1024xf32> to vector<1x1x1024xf32>
      tpu.vector_store %arg5[%swap3A_172, %swap3A_173, %swap3A_174], %swap3A_177 {strides = array<i32>} : memref<4x1x1024xf32, #tpu.memory_space<vmem>>, vector<1x1x1024xf32>,
      %get3A_178 = arith.constant 1 : index
      %get3A_179 = arith.constant 0 : index
      %get3A_180 = arith.constant 0 : index
      %get3A_181 = vector.load %arg2[%get3A_178, %get3A_179, %get3A_180] : memref<4x1024x64xf32, #tpu.memory_space<vmem>>, vector<1x1024x64xf32>
      %get3A_182 = vector.shape_cast %get3A_181 : vector<1x1024x64xf32> to vector<1024x64xf32>
      %integer_pow3A_183 = arith.mulf %get3A_182, %get3A_182 : vector<1024x64xf32>
      %reduce_sum3A_184 = arith.constant dense<0.000000e+00> : vector<1024xf32>
      %reduce_sum3A_185 = vector.multi_reduction <add>, %integer_pow3A_183, %reduce_sum3A_184 [1] : vector<1024x64xf32> to vector<1024xf32>
      %broadcast_in_dim3A_186 = vector.shape_cast %reduce_sum3A_185 : vector<1024xf32> to vector<1x1024xf32>
      %swap3A_187 = arith.constant 1 : index
      %swap3A_188 = arith.constant 0 : index
      %swap3A_189 = arith.constant 0 : index
      %swap3A_190 = vector.load %arg5[%swap3A_187, %swap3A_188, %swap3A_189] : memref<4x1x1024xf32, #tpu.memory_space<vmem>>, vector<1x1x1024xf32>
      %swap3A_191 = vector.shape_cast %swap3A_190 : vector<1x1x1024xf32> to vector<1x1024xf32>
      %swap3A_192 = vector.shape_cast %broadcast_in_dim3A_186 : vector<1x1024xf32> to vector<1x1x1024xf32>
      tpu.vector_store %arg5[%swap3A_187, %swap3A_188, %swap3A_189], %swap3A_192 {strides = array<i32>} : memref<4x1x1024xf32, #tpu.memory_space<vmem>>, vector<1x1x1024xf32>,
      %get3A_193 = arith.constant 2 : index
      %get3A_194 = arith.constant 0 : index
      %get3A_195 = arith.constant 0 : index
      %get3A_196 = vector.load %arg2[%get3A_193, %get3A_194, %get3A_195] : memref<4x1024x64xf32, #tpu.memory_space<vmem>>, vector<1x1024x64xf32>
      %get3A_197 = vector.shape_cast %get3A_196 : vector<1x1024x64xf32> to vector<1024x64xf32>
      %integer_pow3A_198 = arith.mulf %get3A_197, %get3A_197 : vector<1024x64xf32>
      %reduce_sum3A_199 = arith.constant dense<0.000000e+00> : vector<1024xf32>
      %reduce_sum3A_200 = vector.multi_reduction <add>, %integer_pow3A_198, %reduce_sum3A_199 [1] : vector<1024x64xf32> to vector<1024xf32>
      %broadcast_in_dim3A_201 = vector.shape_cast %reduce_sum3A_200 : vector<1024xf32> to vector<1x1024xf32>
      %swap3A_202 = arith.constant 2 : index
      %swap3A_203 = arith.constant 0 : index
      %swap3A_204 = arith.constant 0 : index
      %swap3A_205 = vector.load %arg5[%swap3A_202, %swap3A_203, %swap3A_204] : memref<4x1x1024xf32, #tpu.memory_space<vmem>>, vector<1x1x1024xf32>
      %swap3A_206 = vector.shape_cast %swap3A_205 : vector<1x1x1024xf32> to vector<1x1024xf32>
      %swap3A_207 = vector.shape_cast %broadcast_in_dim3A_201 : vector<1x1024xf32> to vector<1x1x1024xf32>
      tpu.vector_store %arg5[%swap3A_202, %swap3A_203, %swap3A_204], %swap3A_207 {strides = array<i32>} : memref<4x1x1024xf32, #tpu.memory_space<vmem>>, vector<1x1x1024xf32>,
      %get3A_208 = arith.constant 3 : index
      %get3A_209 = arith.constant 0 : index
      %get3A_210 = arith.constant 0 : index
      %get3A_211 = vector.load %arg2[%get3A_208, %get3A_209, %get3A_210] : memref<4x1024x64xf32, #tpu.memory_space<vmem>>, vector<1x1024x64xf32>
      %get3A_212 = vector.shape_cast %get3A_211 : vector<1x1024x64xf32> to vector<1024x64xf32>
      %integer_pow3A_213 = arith.mulf %get3A_212, %get3A_212 : vector<1024x64xf32>
      %reduce_sum3A_214 = arith.constant dense<0.000000e+00> : vector<1024xf32>
      %reduce_sum3A_215 = vector.multi_reduction <add>, %integer_pow3A_213, %reduce_sum3A_214 [1] : vector<1024x64xf32> to vector<1024xf32>
      %broadcast_in_dim3A_216 = vector.shape_cast %reduce_sum3A_215 : vector<1024xf32> to vector<1x1024xf32>
      %swap3A_217 = arith.constant 3 : index
      %swap3A_218 = arith.constant 0 : index
      %swap3A_219 = arith.constant 0 : index
      %swap3A_220 = vector.load %arg5[%swap3A_217, %swap3A_218, %swap3A_219] : memref<4x1x1024xf32, #tpu.memory_space<vmem>>, vector<1x1x1024xf32>
      %swap3A_221 = vector.shape_cast %swap3A_220 : vector<1x1x1024xf32> to vector<1x1024xf32>
      %swap3A_222 = vector.shape_cast %broadcast_in_dim3A_216 : vector<1x1024xf32> to vector<1x1x1024xf32>
      tpu.vector_store %arg5[%swap3A_217, %swap3A_218, %swap3A_219], %swap3A_222 {strides = array<i32>} : memref<4x1x1024xf32, #tpu.memory_space<vmem>>, vector<1x1x1024xf32>,
    } else {
    }
    %iota3A = tpu.iota {dimensions = array<i32: 1>} : vector<1x1024xi32>
    %convert_element_type3A_2 = arith.sitofp %iota3A : vector<1x1024xi32> to vector<1x1024xf32>
    %get3A = arith.constant 0 : index
    %get3A_3 = arith.constant 0 : index
    %get3A_4 = vector.load %arg1[%get3A, %get3A_3] : memref<2304x256xf32, #tpu.memory_space<vmem>>, vector<2304x64xf32>
    %get3A_5 = arith.constant 0 : index
    %get3A_6 = arith.constant 0 : index
    %get3A_7 = arith.constant 0 : index
    %get3A_8 = vector.load %arg2[%get3A_5, %get3A_6, %get3A_7] : memref<4x1024x64xf32, #tpu.memory_space<vmem>>, vector<1x1024x64xf32>
    %get3A_9 = vector.shape_cast %get3A_8 : vector<1x1024x64xf32> to vector<1024x64xf32>
    %integer_pow3A = arith.mulf %get3A_4, %get3A_4 : vector<2304x64xf32>
    %reduce_sum3A = arith.constant dense<0.000000e+00> : vector<2304xf32>
    %reduce_sum3A_10 = vector.multi_reduction <add>, %integer_pow3A, %reduce_sum3A [1] : vector<2304x64xf32> to vector<2304xf32>
    %broadcast_in_dim3A = vector.shape_cast %reduce_sum3A_10 : vector<2304xf32> to vector<2304x1xf32>
    %get3A_11 = arith.constant 0 : index
    %get3A_12 = arith.constant 0 : index
    %get3A_13 = arith.constant 0 : index
    %get3A_14 = vector.load %arg5[%get3A_11, %get3A_12, %get3A_13] : memref<4x1x1024xf32, #tpu.memory_space<vmem>>, vector<1x1x1024xf32>
    %get3A_15 = vector.shape_cast %get3A_14 : vector<1x1x1024xf32> to vector<1x1024xf32>
    %dot_general3A = arith.constant dense<0.000000e+00> : vector<2304x1024xf32>
    %dot_general3A_16 = tpu.matmul %get3A_4, %get3A_9, %dot_general3A {dimension_numbers = #tpu.dot_dimension_numbers<[1], [1], [0], [0], [0, 0, 1, 0], [], []>, transpose_lhs_hint = false} : vector<2304x64xf32>, vector<1024x64xf32>, vector<2304x1024xf32> -> vector<2304x1024xf32>
    %mul3A = arith.constant 2.000000e+00 : f32
    %mul3A_17 = vector.broadcast %mul3A : f32 to vector<2304x1024xf32>
    %mul3A_18 = arith.mulf %mul3A_17, %dot_general3A_16 : vector<2304x1024xf32>
    %sub3A = vector.broadcast %broadcast_in_dim3A : vector<2304x1xf32> to vector<2304x1024xf32>
    %sub3A_19 = arith.subf %sub3A, %mul3A_18 : vector<2304x1024xf32>
    %add3A = vector.broadcast %get3A_15 : vector<1x1024xf32> to vector<2304x1024xf32>
    %add3A_20 = arith.addf %sub3A_19, %add3A : vector<2304x1024xf32>
    %reduce_min3A = arith.constant dense<0x7F800000> : vector<2304xf32>
    %reduce_min3A_21 = vector.multi_reduction <minimumf>, %add3A_20, %reduce_min3A [1] : vector<2304x1024xf32> to vector<2304xf32>
    %broadcast_in_dim3A_22 = vector.shape_cast %reduce_min3A_21 : vector<2304xf32> to vector<2304x1xf32>
    %eq3A_23 = vector.broadcast %broadcast_in_dim3A_22 : vector<2304x1xf32> to vector<2304x1024xf32>
    %eq3A_24 = arith.cmpf oeq, %add3A_20, %eq3A_23 : vector<2304x1024xf32>
    %jit3A = arith.constant 1.024000e+03 : f32
    %broadcast_in_dim3A_25 = vector.shape_cast %convert_element_type3A_2 : vector<1x1024xf32> to vector<1x1024xf32>
    %broadcast_in_dim3A_26 = vector.broadcast %broadcast_in_dim3A_25 : vector<1x1024xf32> to vector<2304x1024xf32>
    %broadcast_in_dim3A_27 = vector.broadcast %jit3A : f32 to vector<2304x1024xf32>
    %select_n3A = arith.select %eq3A_24, %broadcast_in_dim3A_26, %broadcast_in_dim3A_27 : vector<2304x1024xi1>, vector<2304x1024xf32>
    %reduce_min3A_28 = arith.constant dense<0x7F800000> : vector<2304xf32>
    %reduce_min3A_29 = vector.multi_reduction <minimumf>, %select_n3A, %reduce_min3A_28 [1] : vector<2304x1024xf32> to vector<2304xf32>
    %convert_element_type3A_30 = arith.fptosi %reduce_min3A_29 : vector<2304xf32> to vector<2304xi32>
    %get3A_31 = arith.constant 0 : index
    %get3A_32 = arith.constant 64 : index
    %get3A_33 = vector.load %arg1[%get3A_31, %get3A_32] : memref<2304x256xf32, #tpu.memory_space<vmem>>, vector<2304x64xf32>
    %get3A_34 = arith.constant 1 : index
    %get3A_35 = arith.constant 0 : index
    %get3A_36 = arith.constant 0 : index
    %get3A_37 = vector.load %arg2[%get3A_34, %get3A_35, %get3A_36] : memref<4x1024x64xf32, #tpu.memory_space<vmem>>, vector<1x1024x64xf32>
    %get3A_38 = vector.shape_cast %get3A_37 : vector<1x1024x64xf32> to vector<1024x64xf32>
    %integer_pow3A_39 = arith.mulf %get3A_33, %get3A_33 : vector<2304x64xf32>
    %reduce_sum3A_40 = arith.constant dense<0.000000e+00> : vector<2304xf32>
    %reduce_sum3A_41 = vector.multi_reduction <add>, %integer_pow3A_39, %reduce_sum3A_40 [1] : vector<2304x64xf32> to vector<2304xf32>
    %broadcast_in_dim3A_42 = vector.shape_cast %reduce_sum3A_41 : vector<2304xf32> to vector<2304x1xf32>
    %get3A_43 = arith.constant 1 : index
    %get3A_44 = arith.constant 0 : index
    %get3A_45 = arith.constant 0 : index
    %get3A_46 = vector.load %arg5[%get3A_43, %get3A_44, %get3A_45] : memref<4x1x1024xf32, #tpu.memory_space<vmem>>, vector<1x1x1024xf32>
    %get3A_47 = vector.shape_cast %get3A_46 : vector<1x1x1024xf32> to vector<1x1024xf32>
    %dot_general3A_48 = arith.constant dense<0.000000e+00> : vector<2304x1024xf32>
    %dot_general3A_49 = tpu.matmul %get3A_33, %get3A_38, %dot_general3A_48 {dimension_numbers = #tpu.dot_dimension_numbers<[1], [1], [0], [0], [0, 0, 1, 0], [], []>, transpose_lhs_hint = false} : vector<2304x64xf32>, vector<1024x64xf32>, vector<2304x1024xf32> -> vector<2304x1024xf32>
    %mul3A_50 = arith.constant 2.000000e+00 : f32
    %mul3A_51 = vector.broadcast %mul3A_50 : f32 to vector<2304x1024xf32>
    %mul3A_52 = arith.mulf %mul3A_51, %dot_general3A_49 : vector<2304x1024xf32>
    %sub3A_53 = vector.broadcast %broadcast_in_dim3A_42 : vector<2304x1xf32> to vector<2304x1024xf32>
    %sub3A_54 = arith.subf %sub3A_53, %mul3A_52 : vector<2304x1024xf32>
    %add3A_55 = vector.broadcast %get3A_47 : vector<1x1024xf32> to vector<2304x1024xf32>
    %add3A_56 = arith.addf %sub3A_54, %add3A_55 : vector<2304x1024xf32>
    %reduce_min3A_57 = arith.constant dense<0x7F800000> : vector<2304xf32>
    %reduce_min3A_58 = vector.multi_reduction <minimumf>, %add3A_56, %reduce_min3A_57 [1] : vector<2304x1024xf32> to vector<2304xf32>
    %broadcast_in_dim3A_59 = vector.shape_cast %reduce_min3A_58 : vector<2304xf32> to vector<2304x1xf32>
    %eq3A_60 = vector.broadcast %broadcast_in_dim3A_59 : vector<2304x1xf32> to vector<2304x1024xf32>
    %eq3A_61 = arith.cmpf oeq, %add3A_56, %eq3A_60 : vector<2304x1024xf32>
    %jit3A_62 = arith.constant 1.024000e+03 : f32
    %broadcast_in_dim3A_63 = vector.shape_cast %convert_element_type3A_2 : vector<1x1024xf32> to vector<1x1024xf32>
    %broadcast_in_dim3A_64 = vector.broadcast %broadcast_in_dim3A_63 : vector<1x1024xf32> to vector<2304x1024xf32>
    %broadcast_in_dim3A_65 = vector.broadcast %jit3A_62 : f32 to vector<2304x1024xf32>
    %select_n3A_66 = arith.select %eq3A_61, %broadcast_in_dim3A_64, %broadcast_in_dim3A_65 : vector<2304x1024xi1>, vector<2304x1024xf32>
    %reduce_min3A_67 = arith.constant dense<0x7F800000> : vector<2304xf32>
    %reduce_min3A_68 = vector.multi_reduction <minimumf>, %select_n3A_66, %reduce_min3A_67 [1] : vector<2304x1024xf32> to vector<2304xf32>
    %convert_element_type3A_69 = arith.fptosi %reduce_min3A_68 : vector<2304xf32> to vector<2304xi32>
    %get3A_70 = arith.constant 0 : index
    %get3A_71 = arith.constant 128 : index
    %get3A_72 = vector.load %arg1[%get3A_70, %get3A_71] : memref<2304x256xf32, #tpu.memory_space<vmem>>, vector<2304x64xf32>
    %get3A_73 = arith.constant 2 : index
    %get3A_74 = arith.constant 0 : index
    %get3A_75 = arith.constant 0 : index
    %get3A_76 = vector.load %arg2[%get3A_73, %get3A_74, %get3A_75] : memref<4x1024x64xf32, #tpu.memory_space<vmem>>, vector<1x1024x64xf32>
    %get3A_77 = vector.shape_cast %get3A_76 : vector<1x1024x64xf32> to vector<1024x64xf32>
    %integer_pow3A_78 = arith.mulf %get3A_72, %get3A_72 : vector<2304x64xf32>
    %reduce_sum3A_79 = arith.constant dense<0.000000e+00> : vector<2304xf32>
    %reduce_sum3A_80 = vector.multi_reduction <add>, %integer_pow3A_78, %reduce_sum3A_79 [1] : vector<2304x64xf32> to vector<2304xf32>
    %broadcast_in_dim3A_81 = vector.shape_cast %reduce_sum3A_80 : vector<2304xf32> to vector<2304x1xf32>
    %get3A_82 = arith.constant 2 : index
    %get3A_83 = arith.constant 0 : index
    %get3A_84 = arith.constant 0 : index
    %get3A_85 = vector.load %arg5[%get3A_82, %get3A_83, %get3A_84] : memref<4x1x1024xf32, #tpu.memory_space<vmem>>, vector<1x1x1024xf32>
    %get3A_86 = vector.shape_cast %get3A_85 : vector<1x1x1024xf32> to vector<1x1024xf32>
    %dot_general3A_87 = arith.constant dense<0.000000e+00> : vector<2304x1024xf32>
    %dot_general3A_88 = tpu.matmul %get3A_72, %get3A_77, %dot_general3A_87 {dimension_numbers = #tpu.dot_dimension_numbers<[1], [1], [0], [0], [0, 0, 1, 0], [], []>, transpose_lhs_hint = false} : vector<2304x64xf32>, vector<1024x64xf32>, vector<2304x1024xf32> -> vector<2304x1024xf32>
    %mul3A_89 = arith.constant 2.000000e+00 : f32
    %mul3A_90 = vector.broadcast %mul3A_89 : f32 to vector<2304x1024xf32>
    %mul3A_91 = arith.mulf %mul3A_90, %dot_general3A_88 : vector<2304x1024xf32>
    %sub3A_92 = vector.broadcast %broadcast_in_dim3A_81 : vector<2304x1xf32> to vector<2304x1024xf32>
    %sub3A_93 = arith.subf %sub3A_92, %mul3A_91 : vector<2304x1024xf32>
    %add3A_94 = vector.broadcast %get3A_86 : vector<1x1024xf32> to vector<2304x1024xf32>
    %add3A_95 = arith.addf %sub3A_93, %add3A_94 : vector<2304x1024xf32>
    %reduce_min3A_96 = arith.constant dense<0x7F800000> : vector<2304xf32>
    %reduce_min3A_97 = vector.multi_reduction <minimumf>, %add3A_95, %reduce_min3A_96 [1] : vector<2304x1024xf32> to vector<2304xf32>
    %broadcast_in_dim3A_98 = vector.shape_cast %reduce_min3A_97 : vector<2304xf32> to vector<2304x1xf32>
    %eq3A_99 = vector.broadcast %broadcast_in_dim3A_98 : vector<2304x1xf32> to vector<2304x1024xf32>
    %eq3A_100 = arith.cmpf oeq, %add3A_95, %eq3A_99 : vector<2304x1024xf32>
    %jit3A_101 = arith.constant 1.024000e+03 : f32
    %broadcast_in_dim3A_102 = vector.shape_cast %convert_element_type3A_2 : vector<1x1024xf32> to vector<1x1024xf32>
    %broadcast_in_dim3A_103 = vector.broadcast %broadcast_in_dim3A_102 : vector<1x1024xf32> to vector<2304x1024xf32>
    %broadcast_in_dim3A_104 = vector.broadcast %jit3A_101 : f32 to vector<2304x1024xf32>
    %select_n3A_105 = arith.select %eq3A_100, %broadcast_in_dim3A_103, %broadcast_in_dim3A_104 : vector<2304x1024xi1>, vector<2304x1024xf32>
    %reduce_min3A_106 = arith.constant dense<0x7F800000> : vector<2304xf32>
    %reduce_min3A_107 = vector.multi_reduction <minimumf>, %select_n3A_105, %reduce_min3A_106 [1] : vector<2304x1024xf32> to vector<2304xf32>
    %convert_element_type3A_108 = arith.fptosi %reduce_min3A_107 : vector<2304xf32> to vector<2304xi32>
    %get3A_109 = arith.constant 0 : index
    %get3A_110 = arith.constant 192 : index
    %get3A_111 = vector.load %arg1[%get3A_109, %get3A_110] : memref<2304x256xf32, #tpu.memory_space<vmem>>, vector<2304x64xf32>
    %get3A_112 = arith.constant 3 : index
    %get3A_113 = arith.constant 0 : index
    %get3A_114 = arith.constant 0 : index
    %get3A_115 = vector.load %arg2[%get3A_112, %get3A_113, %get3A_114] : memref<4x1024x64xf32, #tpu.memory_space<vmem>>, vector<1x1024x64xf32>
    %get3A_116 = vector.shape_cast %get3A_115 : vector<1x1024x64xf32> to vector<1024x64xf32>
    %integer_pow3A_117 = arith.mulf %get3A_111, %get3A_111 : vector<2304x64xf32>
    %reduce_sum3A_118 = arith.constant dense<0.000000e+00> : vector<2304xf32>
    %reduce_sum3A_119 = vector.multi_reduction <add>, %integer_pow3A_117, %reduce_sum3A_118 [1] : vector<2304x64xf32> to vector<2304xf32>
    %broadcast_in_dim3A_120 = vector.shape_cast %reduce_sum3A_119 : vector<2304xf32> to vector<2304x1xf32>
    %get3A_121 = arith.constant 3 : index
    %get3A_122 = arith.constant 0 : index
    %get3A_123 = arith.constant 0 : index
    %get3A_124 = vector.load %arg5[%get3A_121, %get3A_122, %get3A_123] : memref<4x1x1024xf32, #tpu.memory_space<vmem>>, vector<1x1x1024xf32>
    %get3A_125 = vector.shape_cast %get3A_124 : vector<1x1x1024xf32> to vector<1x1024xf32>
    %dot_general3A_126 = arith.constant dense<0.000000e+00> : vector<2304x1024xf32>
    %dot_general3A_127 = tpu.matmul %get3A_111, %get3A_116, %dot_general3A_126 {dimension_numbers = #tpu.dot_dimension_numbers<[1], [1], [0], [0], [0, 0, 1, 0], [], []>, transpose_lhs_hint = false} : vector<2304x64xf32>, vector<1024x64xf32>, vector<2304x1024xf32> -> vector<2304x1024xf32>
    %mul3A_128 = arith.constant 2.000000e+00 : f32
    %mul3A_129 = vector.broadcast %mul3A_128 : f32 to vector<2304x1024xf32>
    %mul3A_130 = arith.mulf %mul3A_129, %dot_general3A_127 : vector<2304x1024xf32>
    %sub3A_131 = vector.broadcast %broadcast_in_dim3A_120 : vector<2304x1xf32> to vector<2304x1024xf32>
    %sub3A_132 = arith.subf %sub3A_131, %mul3A_130 : vector<2304x1024xf32>
    %add3A_133 = vector.broadcast %get3A_125 : vector<1x1024xf32> to vector<2304x1024xf32>
    %add3A_134 = arith.addf %sub3A_132, %add3A_133 : vector<2304x1024xf32>
    %reduce_min3A_135 = arith.constant dense<0x7F800000> : vector<2304xf32>
    %reduce_min3A_136 = vector.multi_reduction <minimumf>, %add3A_134, %reduce_min3A_135 [1] : vector<2304x1024xf32> to vector<2304xf32>
    %broadcast_in_dim3A_137 = vector.shape_cast %reduce_min3A_136 : vector<2304xf32> to vector<2304x1xf32>
    %eq3A_138 = vector.broadcast %broadcast_in_dim3A_137 : vector<2304x1xf32> to vector<2304x1024xf32>
    %eq3A_139 = arith.cmpf oeq, %add3A_134, %eq3A_138 : vector<2304x1024xf32>
    %jit3A_140 = arith.constant 1.024000e+03 : f32
    %broadcast_in_dim3A_141 = vector.shape_cast %convert_element_type3A_2 : vector<1x1024xf32> to vector<1x1024xf32>
    %broadcast_in_dim3A_142 = vector.broadcast %broadcast_in_dim3A_141 : vector<1x1024xf32> to vector<2304x1024xf32>
    %broadcast_in_dim3A_143 = vector.broadcast %jit3A_140 : f32 to vector<2304x1024xf32>
    %select_n3A_144 = arith.select %eq3A_139, %broadcast_in_dim3A_142, %broadcast_in_dim3A_143 : vector<2304x1024xi1>, vector<2304x1024xf32>
    %reduce_min3A_145 = arith.constant dense<0x7F800000> : vector<2304xf32>
    %reduce_min3A_146 = vector.multi_reduction <minimumf>, %select_n3A_144, %reduce_min3A_145 [1] : vector<2304x1024xf32> to vector<2304xf32>
    %convert_element_type3A_147 = arith.fptosi %reduce_min3A_146 : vector<2304xf32> to vector<2304xi32>
    %stack3A = vector.shape_cast %convert_element_type3A_30 : vector<2304xi32> to vector<2304x1xi32>
    %stack3A_148 = vector.shape_cast %convert_element_type3A_69 : vector<2304xi32> to vector<2304x1xi32>
    %stack3A_149 = vector.shape_cast %convert_element_type3A_108 : vector<2304xi32> to vector<2304x1xi32>
    %stack3A_150 = vector.shape_cast %convert_element_type3A_147 : vector<2304xi32> to vector<2304x1xi32>
    %stack3A_151 = tpu.concatenate %stack3A, %stack3A_148, %stack3A_149, %stack3A_150 in 1 : vector<2304x1xi32>, vector<2304x1xi32>, vector<2304x1xi32>, vector<2304x1xi32> -> vector<2304x4xi32>
    %swap3A = arith.constant 0 : index
    %swap3A_152 = arith.constant 0 : index
    %swap3A_153 = vector.load %arg3[%swap3A, %swap3A_152] : memref<2304x4xi32, #tpu.memory_space<vmem>>, vector<2304x4xi32>
    tpu.vector_store %arg3[%swap3A, %swap3A_152], %stack3A_151 {strides = array<i32>} : memref<2304x4xi32, #tpu.memory_space<vmem>>, vector<2304x4xi32>,
    %iota3A_154 = tpu.iota {dimensions = array<i32: 1>} : vector<1x4xi32>
    %mul3A_155 = arith.constant 1024 : i32
    %mul3A_156 = vector.broadcast %mul3A_155 : i32 to vector<1x4xi32>
    %mul3A_157 = arith.muli %iota3A_154, %mul3A_156 : vector<1x4xi32>
    %add3A_158 = vector.broadcast %mul3A_157 : vector<1x4xi32> to vector<2304x4xi32>
    %add3A_159 = arith.addi %stack3A_151, %add3A_158 : vector<2304x4xi32>
    %swap3A_160 = arith.constant 0 : index
    %swap3A_161 = arith.constant 0 : index
    %swap3A_162 = vector.load %arg4[%swap3A_160, %swap3A_161] : memref<2304x4xi32, #tpu.memory_space<vmem>>, vector<2304x4xi32>
    tpu.vector_store %arg4[%swap3A_160, %swap3A_161], %add3A_159 {strides = array<i32>} : memref<2304x4xi32, #tpu.memory_space<vmem>>, vector<2304x4xi32>,
    return
  }
  func.func @transform_0(%arg0: i32) -> (i32, i32) {
    %c0_i32 = arith.constant 0 : i32
    %c0_i32_0 = arith.constant 0 : i32
    return %arg0, %c0_i32 : i32, i32
  }
  func.func @transform_1(%arg0: i32) -> (i32, i32, i32) {
    %c0_i32 = arith.constant 0 : i32
    %c0_i32_0 = arith.constant 0 : i32
    %c0_i32_1 = arith.constant 0 : i32
    %c0_i32_2 = arith.constant 0 : i32
    return %c0_i32, %c0_i32_0, %c0_i32_1 : i32, i32, i32
  }
  func.func @transform_2(%arg0: i32) -> (i32, i32) {
    %c0_i32 = arith.constant 0 : i32
    %c0_i32_0 = arith.constant 0 : i32
    return %arg0, %c0_i32 : i32, i32
  }
  func.func @transform_3(%arg0: i32) -> (i32, i32) {
    %c0_i32 = arith.constant 0 : i32
    %c0_i32_0 = arith.constant 0 : i32
    return %arg0, %c0_i32 : i32, i32
  }
}

</mosaic_0001>

<sc_bundles>
// kernel: kernel.4.cloned.1.call-start
scs
__scs_entry_jumppad:
0x0: {  	(pc) =	sbr.rel $0x88, $3  }
0x1: {  	(tag) =	ssettag $0x0;
	lr =	simm.s32 $0x1  }
0x2: {  	[smem:$0x3F9F] =	sst lr;
	_ =	strace $0xD0000000  }
0x3: {  	_ = 	snop  }
0x4: {  	_ = 	snop  }
0x5: {  	_ = 	snop  }
0x6: {  	_ = 	snop  }
0x7: {  	_ = 	snop  }
__scs_overlays_trampoline_lowered:
0x8: {  	[smem:$0x3FAE] =	sst s0  }
0x9: {  	[smem:$0x3FAF] =	sst s1  }
0xa: {  	[smem:$0x3FB0] =	sst s2  }
0xb: {  	[smem:$0x3FB1] =	sst s3  }
0xc: {  	[smem:$0x3FB2] =	sst s4  }
0xd: {  	[smem:$0x3FB3] =	sst s5  }
0xe: {  	[smem:$0x3FB4] =	sst s6  }
0xf: {  	[smem:$0x3FB5] =	sst s7  }
0x10: {  	[smem:$0x3FB6] =	sst s8  }
0x11: {  	[smem:$0x3FB7] =	sst s9;
	s0 =	simm.s32 @!p0 $0x0  }
0x12: {  	s1 =	sld [smem:$0x3F9D];
	s0 =	simm.s32 @p0 $0x1  }
0x13: {  	[smem:$0x3FB8] =	sst s0;
	s0 =	simm.s32 @!p1 $0x0  }
0x14: {  	s2 =	sld [smem:$0x3F9C];
	s0 =	simm.s32 @p1 $0x1  }
0x15: {  	[smem:$0x3FB9] =	sst s0;
	s0 =	simm.s32 @!p2 $0x0  }
0x16: {  	s3 =	sld [smem:$0x3FDB];
	s0 =	simm.s32 @p2 $0x1  }
0x17: {  	s4 =	simm.s32 $0x1BF5;
	[smem:$0x3FBB] =	sst s0  }
0x18: {  	s0 =	sld [smem:$0x3F9E];
	_ =	swait.ge [sflag:s4], $0x0  }
0x19: {  	s7 =	sld [smem:$0x3F9F]  }
0x1a: {  	s8 =	sadd.s32 $0xFFFFE003, lr  }
0x1b: {  	s9 =	sadd.s32 $0xFFFFFEF7, lr;
	s5 =	simm.s32 $0xFFFFFFFF;
	p2 =	slt.u32 s8, $0xFFFFF086  }
0x1c: {  	p1 =	slt.u32 s9, $0xF7A;
	s5 =	simm.s32 @!p2 $0x0  }
0x1d: {  	s5 =	simm.s32 @p1 $0x1;
	p0 =	seq.s32 s7, s2  }
0x1e: {  	s7 =	smul.u32 @!p0 $0xF7A, s2;
	p2 =	seq.s32 @!p0 s5, $0x0  }
0x1f: {  	s9 =	smul.u32 $0xF7A, s1;
	s8 =	simm.s32 @!p0 $0x1BF5;
	p2 =	por !p2, p0  }
0x20: {  	[sflag:s8] =	ssyncset.s32 @!p0 $0xFFFFF086;
	s6 =	sadd.s32 @!p0 s3, s7;
	s7 =	simm.s32 @!p0 $0x108  }
0x21: {  	s3 =	sadd.s32 s3, s9;
	s6 =	sadd.s32 @!p0 $0x88, s6;
	s7 =	simm.s32 @p2 $0x1082  }
0x22: {  	[simem:s7], [sflag:s8] =	dma.local @!p0 [hbm:s6], $0xF7A  }
0x23: {  	s9 =	sor.u32 $0xD0000000, s2;
	s6 =	simm.s32 $0x108;
	_ =	swait.ge @!p0 [sflag:s8], $0x0  }
0x24: {  	s3 =	sadd.s32 $0x88, s3;
	s6 =	simm.s32 @!p1 $0x1082;
	[sflag:s4] =	ssyncset.s32 $0xFFFFF086  }
0x25: {  	[simem:s6], [sflag:s4] =	dma.local [hbm:s3], $0xF7A  }
0x26: {  	[smem:$0x3F9F] =	sst s1;
	(tag) =	ssettag s2;
	_ =	strace s9  }
0x27: {  	s1 =	sld [smem:$0x3FAF]  }
0x28: {  	s2 =	sld [smem:$0x3FB0]  }
0x29: {  	s4 =	sld [smem:$0x3FB2]  }
0x2a: {  	p0 =	seq.s32 s5, $0x0;
	s5 =	sld [smem:$0x3FB3]  }
0x2b: {  	s6 =	sld [smem:$0x3FB4]  }
0x2c: {  	s7 =	sld [smem:$0x3FB5]  }
0x2d: {  	s3 =	simm.s32 $0x108;
	s8 =	sld [smem:$0x3FB6]  }
0x2e: {  	s3 =	simm.s32 @!p0 $0x1082;
	s9 =	sld [smem:$0x3FB7]  }
0x2f: {  	lr =	sadd.s32 s0, s3;
	s0 =	sld [smem:$0x3FAE]  }
0x30: {  	s3 =	sld [smem:$0x3FB1]  }
0x31: {  	[smem:$0x3FBA] =	sst s10  }
0x32: {  	s10 =	sld [smem:$0x3FB8];
	_ =	sdelay $0x3  }
0x33: {  	p0 =	seq.s32 s10, $0x1;
	s10 =	sld [smem:$0x3FBA];
	_ =	sdelay $0x3  }
0x34: {  	[smem:$0x3FBA] =	sst s10  }
0x35: {  	s10 =	sld [smem:$0x3FB9];
	_ =	sdelay $0x3  }
0x36: {  	p1 =	seq.s32 s10, $0x1;
	s10 =	sld [smem:$0x3FBA];
	_ =	sdelay $0x3  }
0x37: {  	[smem:$0x3FBA] =	sst s10  }
0x38: {  	s10 =	sld [smem:$0x3FBB]  }
0x39: {  	_ = 	snop;
	(pc) =	sbr.ind lr, $3  }
0x3a: {  	_ = 	snop  }
0x3b: {  	_ = 	snop  }
0x3c: {  	p2 =	seq.s32 s10, $0x1;
	s10 =	sld [smem:$0x3FBA]  }
0x3d: {  	_ =	shalt  }
0x3e: {  	_ =	shalt  }
0x3f: {  	_ =	shalt  }
0x40: {  	_ =	shalt  }
0x41: {  	_ =	shalt  }
0x42: {  	_ =	shalt  }
0x43: {  	_ =	shalt  }
0x44: {  	_ =	shalt  }
0x45: {  	_ =	shalt  }
0x46: {  	_ =	shalt  }
0x47: {  	_ =	shalt  }
0x48: {  	_ =	shalt  }
0x49: {  	_ =	shalt  }
0x4a: {  	_ =	shalt  }
0x4b: {  	_ =	shalt  }
0x4c: {  	_ =	shalt  }
0x4d: {  	_ =	shalt  }
0x4e: {  	_ =	shalt  }
0x4f: {  	_ =	shalt  }
0x50: {  	_ =	shalt  }
0x51: {  	_ =	shalt  }
0x52: {  	_ =	shalt  }
0x53: {  	_ =	shalt  }
0x54: {  	_ =	shalt  }
0x55: {  	_ =	shalt  }
0x56: {  	_ =	shalt  }
0x57: {  	_ =	shalt  }
0x58: {  	_ =	shalt  }
0x59: {  	_ =	shalt  }
0x5a: {  	_ =	shalt  }
0x5b: {  	_ =	shalt  }
0x5c: {  	_ =	shalt  }
0x5d: {  	_ =	shalt  }
0x5e: {  	_ =	shalt  }
0x5f: {  	_ =	shalt  }
0x60: {  	_ =	shalt  }
0x61: {  	_ =	shalt  }
0x62: {  	_ =	shalt  }
0x63: {  	_ =	shalt  }
0x64: {  	_ =	shalt  }
0x65: {  	_ =	shalt  }
0x66: {  	_ =	shalt  }
0x67: {  	_ =	shalt  }
0x68: {  	_ =	shalt  }
0x69: {  	_ =	shalt  }
0x6a: {  	_ =	shalt  }
0x6b: {  	_ =	shalt  }
0x6c: {  	_ =	shalt  }
0x6d: {  	_ =	shalt  }
0x6e: {  	_ =	shalt  }
0x6f: {  	_ =	shalt  }
0x70: {  	_ =	shalt  }
0x71: {  	_ =	shalt  }
0x72: {  	_ =	shalt  }
0x73: {  	_ =	shalt  }
0x74: {  	_ =	shalt  }
0x75: {  	_ =	shalt  }
0x76: {  	_ =	shalt  }
0x77: {  	_ =	shalt  }
0x78: {  	_ =	shalt  }
0x79: {  	_ =	shalt  }
0x7a: {  	_ =	shalt  }
0x7b: {  	_ =	shalt  }
0x7c: {  	_ =	shalt  }
0x7d: {  	_ =	shalt  }
0x7e: {  	_ =	shalt  }
0x7f: {  	_ =	shalt  }
0x80: {  	_ =	shalt  }
0x81: {  	_ =	shalt  }
0x82: {  	_ =	shalt  }
0x83: {  	_ =	shalt  }
0x84: {  	_ =	shalt  }
0x85: {  	_ =	shalt  }
0x86: {  	_ =	shalt  }
0x87: {  	_ =	shalt  }
.Lfunc_end0:
.L_simem_size_0:
called_computation_lowered:
.L_overlay_start_0:
0x88: {  	s2 =	sld [smem:$0x3FD9]  }
0x89: {  	s3 =	sld [smem:$0x3FFE];
	_ =	sdelay $0x1  }
0x8a: {  	s1 =	srdreg.scid  }
0x8b: {  	s0 =	sand.u32 $0x1, s1  }
0x8c: {  	s14 =	sshll.u32 s0, $0xA;
	s2 =	sadd.s32 s3, s2  }
0x8d: {  	s2 =	sadd.s32 s2, s14  }
0x8e: {  	[smem:$0x3FC6] =	sst s2  }
0x8f: {  	_ = 	snop  }
0x90: {  	s2 =	sld [smem:$0x3FD0];
	_ =	sdelay $0x2  }
0x91: {  	s15 =	simm.s32 $0xA;
	s4 =	simm.s32 $0x10  }
0x92: {  	[smem:s4], [sflag:s15] =	dma.local [hbm:s2], $0x1  }
0x93: {  	_ =	swait.eq [sflag:s15], $0x1  }
0x94: {  	[sflag:s15] =	ssyncset.done $0x0  }
0x95: {  	[sflag:s15] =	ssyncadd.s32 $0xFFFFFFFF  }
0x96: {  	s16 =	sld [smem:$0x10];
	(tm) =	ssettm $0x1  }
0x97: {  	s17 =	sld [smem:$0x3FFB];
	_ =	sdelay $0x3  }
0x98: {  	_ =	strace s17  }
0x99: {  	s3 =	sld [smem:$0x3FFC];
	_ =	sdelay $0x3  }
0x9a: {  	_ =	strace s3  }
0x9b: {  	s3 =	sld [smem:$0x3FFD];
	_ =	sdelay $0x3  }
0x9c: {  	_ =	strace s3  }
0x9d: {  	_ =	strace $0x8FFFFFFF  }
0x9e: {  	s18 =	sld [smem:$0x3FDB];
	_ =	sdelay $0x1  }
0x9f: {  	s19 =	simm.s32 $_scs_section_size  }
0xa0: {  	s5 =	simm.s32 $_size__tile_overlayer_lowered;
	s6 =	simm.s32 $_tile_overlayer_lowered  }
0xa1: {  	s22 =	simm.s32 $0x1BFF;
	s21 =	sshll.u32 s6, $0x1;
	s3 =	sadd.s32 s19, s18  }
0xa2: {  	s7 =	simm.s32 $0x0;
	s20 =	sshll.u32 s5, $0x1;
	s5 =	sadd.s32 s21, s3  }
0xa3: {  	[timem:s7], [sflag:s22] =	dma.local [hbm:s5], s20  }
0xa4: {  	_ =	swait.ge [sflag:s22], s20  }
0xa5: {  	s4 =	ssub.s32 $0x0, s20;
	[sflag:s22] =	ssyncset.done $0x0  }
0xa6: {  	[sflag:s22] =	ssyncadd.s32 s4;
	_ =	sdelay $0x1  }
0xa7: {  	s23 =	simm.s32 $0x1B8B  }
0xa8: {  	_ =	swait.ge [sflag:s23], $0x1  }
0xa9: {  	[sflag:s23] =	ssyncset.done $0x0  }
0xaa: {  	s25 =	simm.s32 $0x1B8E;
	s24 =	sld [smem:$0x3FFE];
	[sflag:s23] =	ssyncadd.s32 $0xFFFFFFFF  }
0xab: {  	s26 =	simm.s32 $execute0_lowered;
	[smem:$0x3FD2] =	sst s25  }
0xac: {  	s5 =	sshll.u32 s26, $0x1;
	_ =	strace $0x80000046;
	[dreg:$0x1] =	wrdreg $0xFFFFFFFF  }
0xad: {  	s28 =	simm.s32 $_size_execute0_lowered;
	s3 =	sadd.s32 s3, s5;
	[dreg:$0x0] =	wrdreg $0x0  }
0xae: {  	s5 =	sshll.u32 s28, $0x1;
	[dreg:$0x2] =	wrdreg s3  }
0xaf: {  	[dreg:$0x3] =	wrdreg s5  }
0xb0: {  	[dreg:$0x4] =	wrdreg $0xC0  }
0xb1: {  	_ =	task [dreg:s7], $0x5FFFF  }
0xb2: {  	[dreg:$0x1] =	wrdreg $0xFFFFFFFF  }
0xb3: {  	[dreg:$0x0] =	wrdreg $0x60  }
0xb4: {  	[dreg:$0x2] =	wrdreg s16  }
0xb5: {  	[dreg:$0x3] =	wrdreg s24  }
0xb6: {  	[dreg:$0x4] =	wrdreg $0x9  }
0xb7: {  	_ =	task.clear_ibuf [dreg:s7], $0x5FFFF;
	_ =	strace $0x90000046  }
0xb8: {  	s29 =	simm.s32 $0x9;
	_ =	strace $0x80000048  }
0xb9: {  	_ =	swait.ge [sflag:s29], $0x1  }
0xba: {  	[sflag:s29] =	ssyncadd.s32 $0xFFFFFFFF  }
0xbb: {  	_ =	strace $0x90000048  }
0xbc: {  	_ =	sfence  }
0xbd: {  	s30 =	sld [smem:$0x0];
	_ =	sdelay $0x2  }
0xbe: {  	s31 =	sshll.u32 s1, $0xD;
	s1 =	sshrl.u32 s1, $0x2  }
0xbf: {  	s3 =	sand.u32 $0x4000, s31;
	s1 =	sadd.s32 s1, s30  }
0xc0: {  	s0 =	sor.u32 s3, s0;
	s1 =	sshll.u32 s1, $0x11  }
0xc1: {  	s0 =	sor.u32 s1, s0  }
0xc2: {  	s0 =	sadd.s32 $0x8F2B, s0  }
0xc3: {  	[sflag:s0] =	ssyncadd.remote.s32 $0x1  }
0xc4: {  	_ =	sfence.sel $0xFFFF  }
0xc5: {  	[dreg:$0x0] =	wrdreg $0xFFFFFFFF;
	(pc) =	sbr.abs _section_cstart, $3  }
0xc6: {  	[dreg:$0x1] =	wrdreg $0xFFFFFFFF  }
0xc7: {  	_ =	task.clear_ibuf [dreg:s7], $0x2FFFF;
	_ =	strace $0x9FFFFFFF  }
0xc8: {  	(tm) =	ssettm $0x7FFFFFFF  }
0xc9: {  	_ =	shalt  }
tec
execute0_lowered:
.L_overlay_start_1:
0x0: {  	(tag) =	ssettag $0x1  }
0x1: {  	s1 =	srdreg.scid;
	s0 =	stileid.u32  }
0x2: {  	s26 =	sand.u32 $0x1, s1;
	s30 =	sshll.u32 s0, $0x1  }
0x3: {  	s25 =	sor.u32 s26, s30  }
0x4: {  	s2 =	rddreg [dreg:$0x0];
	s4 =	smul.u32 $0x90, s25  }
0x5: {  	s24 =	rddreg [dreg:$0x1];
	s3 =	simm.s32 $0x0  }
0x6: {  	s5 =	simm.s32 $0x3;
	[smem:$0x7FF] =	sst s3;
	s4 =	sadd.s32 s4, s24  }
0x7: {  	s1 =	rddreg [dreg:$0x2];
	_ =	strace $0x80000047;
	s4 =	sadd.s32 $0x800, s4  }
0x8: {  	[tilespmem:s3], [sflag:$0x3] =	stream.linear.gather [hbm4b:s4+s3], $0x480, $0x38;
	[tilespmem:$0x12480] =	vst v63  }
0x9: {  	_ =	swait.ge [sflag:s5], $0x480  }
0xa: {  	[sflag:s5] =	ssyncset.done $0x0  }
0xb: {  	s6 =	simm.s32 $0x80;
	s7 =	simm.s32 $0x480;
	[sflag:s5] =	ssyncadd.s32 $0xFFFFFB80  }
0xc: {  	[tilespmem:s7], [sflag:$0x1] =	stream.indirect.gather [hbm4b:s2+s6], $0x40, s3, s6, $0xb8;
	[tilespmem:$0x12480] =	vst v63  }
0xd: {  	s8 =	simm.s32 $0x2480  }
0xe: {  	[tilespmem:s8], [sflag:$0x1] =	stream.indirect.gather [hbm4b:s2+s6], $0x40, s6, s6, $0xb8;
	[tilespmem:$0x12480] =	vst v63  }
0xf: {  	s9 =	simm.s32 $0x100;
	s10 =	simm.s32 $0x4480  }
0x10: {  	[tilespmem:s10], [sflag:$0x1] =	stream.indirect.gather [hbm4b:s2+s6], $0x40, s9, s6, $0xb8;
	[tilespmem:$0x12480] =	vst v63  }
0x11: {  	s11 =	simm.s32 $0x180;
	s12 =	simm.s32 $0x6480  }
0x12: {  	[tilespmem:s12], [sflag:$0x1] =	stream.indirect.gather [hbm4b:s2+s6], $0x40, s11, s6, $0xb8;
	[tilespmem:$0x12480] =	vst v63  }
0x13: {  	s13 =	simm.s32 $0x200;
	s14 =	simm.s32 $0x8480  }
0x14: {  	[tilespmem:s14], [sflag:$0x1] =	stream.indirect.gather [hbm4b:s2+s6], $0x40, s13, s6, $0xb8;
	[tilespmem:$0x12480] =	vst v63  }
0x15: {  	s15 =	simm.s32 $0x280;
	s16 =	simm.s32 $0xA480  }
0x16: {  	[tilespmem:s16], [sflag:$0x1] =	stream.indirect.gather [hbm4b:s2+s6], $0x40, s15, s6, $0xb8;
	[tilespmem:$0x12480] =	vst v63  }
0x17: {  	s17 =	simm.s32 $0x300;
	s18 =	simm.s32 $0xC480  }
0x18: {  	[tilespmem:s18], [sflag:$0x1] =	stream.indirect.gather [hbm4b:s2+s6], $0x40, s17, s6, $0xb8;
	[tilespmem:$0x12480] =	vst v63  }
0x19: {  	s19 =	simm.s32 $0x380;
	s20 =	simm.s32 $0xE480  }
0x1a: {  	[tilespmem:s20], [sflag:$0x1] =	stream.indirect.gather [hbm4b:s2+s6], $0x40, s19, s6, $0xb8;
	[tilespmem:$0x12480] =	vst v63  }
0x1b: {  	s21 =	simm.s32 $0x400;
	s22 =	simm.s32 $0x10480;
	s23 =	simm.s32 $0x1  }
0x1c: {  	[tilespmem:s22], [sflag:$0x1] =	stream.indirect.gather [hbm4b:s2+s6], $0x40, s21, s6, $0xb8;
	[tilespmem:$0x12480] =	vst v63  }
0x1d: {  	_ =	swait.ge [sflag:s23], $0x2000  }
0x1e: {  	[sflag:s23] =	ssyncset.done $0x0  }
0x1f: {  	[sflag:s23] =	ssyncadd.s32 $0xFFFFE000  }
0x20: {  	_ =	swait.ge [sflag:s23], $0x2000  }
0x21: {  	[sflag:s23] =	ssyncset.done $0x0  }
0x22: {  	[sflag:s23] =	ssyncadd.s32 $0xFFFFE000  }
0x23: {  	_ =	swait.ge [sflag:s23], $0x2000  }
0x24: {  	[sflag:s23] =	ssyncset.done $0x0  }
0x25: {  	[sflag:s23] =	ssyncadd.s32 $0xFFFFE000  }
0x26: {  	s28 =	smul.u32 $0x2400, s25;
	_ =	swait.ge [sflag:s23], $0x2000  }
0x27: {  	s29 =	sadd.s32 $0x1A00, s24;
	[sflag:s23] =	ssyncset.done $0x0  }
0x28: {  	s24 =	sadd.s32 s29, s28;
	[sflag:s23] =	ssyncadd.s32 $0xFFFFE000  }
0x29: {  	[hbm4b:s24+s3] =	stream.linear.scatter [tilespmem:s7], [sflag:$0x2], $0x8000, $0x38;
	[tilespmem:$0x12480] =	vst v63  }
0x2a: {  	_ =	swait.ge [sflag:s23], $0x2000  }
0x2b: {  	[sflag:s23] =	ssyncset.done $0x0  }
0x2c: {  	[sflag:s23] =	ssyncadd.s32 $0xFFFFE000  }
0x2d: {  	_ =	swait.ge [sflag:s23], $0x2000  }
0x2e: {  	[sflag:s23] =	ssyncset.done $0x0  }
0x2f: {  	[sflag:s23] =	ssyncadd.s32 $0xFFFFE000  }
0x30: {  	_ =	swait.ge [sflag:s23], $0x2000  }
0x31: {  	[sflag:s23] =	ssyncset.done $0x0  }
0x32: {  	[sflag:s23] =	ssyncadd.s32 $0xFFFFE000  }
0x33: {  	s25 =	smul.u32 $0x12000, s25;
	_ =	swait.ge [sflag:s23], $0x2000  }
0x34: {  	s28 =	ssub.s32 $0x2, s26;
	[sflag:s23] =	ssyncset.done $0x0  }
0x35: {  	s25 =	sshrl.u32 s25, $0x3;
	s31 =	sshrl.u32 s28, $0x1;
	[sflag:s23] =	ssyncadd.s32 $0xFFFFE000  }
0x36: {  	s26 =	simm.s32 $0x2;
	s28 =	ssub.s32 s28, s31;
	_ =	swait.ge [sflag:s23], $0x2000  }
0x37: {  	s25 =	sadd.s32 s29, s25;
	s28 =	smax.u32 s28, $0x1;
	[sflag:s23] =	ssyncset.done $0x0  }
0x38: {  	s25 =	sadd.s32 $0x1000, s25;
	p0 =	sne.s32 s28, $0x1;
	[sflag:s23] =	ssyncadd.s32 $0xFFFFE000  }
0x39: {  	[hbm4b:s25+s3] =	stream.linear.scatter [tilespmem:s14], [sflag:$0x2], $0xA000, $0x38;
	[tilespmem:$0x12480] =	vst v63  }
.Ltmp0:
0x3a: {  	_ =	swait.ge [sflag:s26], $0x8000;
	(pc) =	sbr.rel @!p0 .LBB2_2-.Ltmp0, $4  }
0x3b: {  	[sflag:s26] =	ssyncset.done $0x0  }
0x3c: {  	[sflag:s26] =	ssyncadd.s32 $0xFFFF8000  }
0x3d: {  	_ =	swait.ge [sflag:s26], $0xA000  }
0x3e: {  	s28 =	sadd.s32 $0xFFFFFFFF, s28;
	[sflag:s26] =	ssyncset.done $0x0  }
.LBB2_1:
0x3f: {  	p0 =	sne.s32 s28, $0x1;
	s28 =	sadd.s32 $0xFFFFFFFF, s28;
	[sflag:s26] =	ssyncadd.s32 $0xFFFF6000  }
0x40: {  	[tilespmem:s3], [sflag:$0x3] =	stream.linear.gather [hbm4b:s4+s3], $0x480, $0x38;
	[tilespmem:$0x12480] =	vst v63  }
0x41: {  	_ =	swait.ge [sflag:s5], $0x480  }
0x42: {  	[sflag:s5] =	ssyncset.done $0x0  }
0x43: {  	[sflag:s5] =	ssyncadd.s32 $0xFFFFFB80  }
0x44: {  	[tilespmem:s7], [sflag:$0x1] =	stream.indirect.gather [hbm4b:s2+s6], $0x40, s3, s6, $0xb8;
	[tilespmem:$0x12480] =	vst v63  }
0x45: {  	_ = 	snop  }
0x46: {  	[tilespmem:s8], [sflag:$0x1] =	stream.indirect.gather [hbm4b:s2+s6], $0x40, s6, s6, $0xb8;
	[tilespmem:$0x12480] =	vst v63  }
0x47: {  	_ = 	snop  }
0x48: {  	[tilespmem:s10], [sflag:$0x1] =	stream.indirect.gather [hbm4b:s2+s6], $0x40, s9, s6, $0xb8;
	[tilespmem:$0x12480] =	vst v63  }
0x49: {  	_ = 	snop  }
0x4a: {  	[tilespmem:s12], [sflag:$0x1] =	stream.indirect.gather [hbm4b:s2+s6], $0x40, s11, s6, $0xb8;
	[tilespmem:$0x12480] =	vst v63  }
0x4b: {  	_ = 	snop  }
0x4c: {  	[tilespmem:s14], [sflag:$0x1] =	stream.indirect.gather [hbm4b:s2+s6], $0x40, s13, s6, $0xb8;
	[tilespmem:$0x12480] =	vst v63  }
0x4d: {  	_ = 	snop  }
0x4e: {  	[tilespmem:s16], [sflag:$0x1] =	stream.indirect.gather [hbm4b:s2+s6], $0x40, s15, s6, $0xb8;
	[tilespmem:$0x12480] =	vst v63  }
0x4f: {  	_ = 	snop  }
0x50: {  	[tilespmem:s18], [sflag:$0x1] =	stream.indirect.gather [hbm4b:s2+s6], $0x40, s17, s6, $0xb8;
	[tilespmem:$0x12480] =	vst v63  }
0x51: {  	_ = 	snop  }
0x52: {  	[tilespmem:s20], [sflag:$0x1] =	stream.indirect.gather [hbm4b:s2+s6], $0x40, s19, s6, $0xb8;
	[tilespmem:$0x12480] =	vst v63  }
0x53: {  	_ = 	snop  }
0x54: {  	[tilespmem:s22], [sflag:$0x1] =	stream.indirect.gather [hbm4b:s2+s6], $0x40, s21, s6, $0xb8;
	[tilespmem:$0x12480] =	vst v63  }
0x55: {  	_ =	swait.ge [sflag:s23], $0x2000  }
0x56: {  	[sflag:s23] =	ssyncset.done $0x0  }
0x57: {  	[sflag:s23] =	ssyncadd.s32 $0xFFFFE000  }
0x58: {  	_ =	swait.ge [sflag:s23], $0x2000  }
0x59: {  	[sflag:s23] =	ssyncset.done $0x0  }
0x5a: {  	[sflag:s23] =	ssyncadd.s32 $0xFFFFE000  }
0x5b: {  	_ =	swait.ge [sflag:s23], $0x2000  }
0x5c: {  	[sflag:s23] =	ssyncset.done $0x0  }
0x5d: {  	[sflag:s23] =	ssyncadd.s32 $0xFFFFE000  }
0x5e: {  	_ =	swait.ge [sflag:s23], $0x2000  }
0x5f: {  	[sflag:s23] =	ssyncset.done $0x0  }
0x60: {  	[sflag:s23] =	ssyncadd.s32 $0xFFFFE000  }
0x61: {  	[hbm4b:s24+s3] =	stream.linear.scatter [tilespmem:s7], [sflag:$0x2], $0x8000, $0x38;
	[tilespmem:$0x12480] =	vst v63  }
0x62: {  	_ =	swait.ge [sflag:s23], $0x2000  }
0x63: {  	[sflag:s23] =	ssyncset.done $0x0  }
0x64: {  	[sflag:s23] =	ssyncadd.s32 $0xFFFFE000  }
0x65: {  	_ =	swait.ge [sflag:s23], $0x2000  }
0x66: {  	[sflag:s23] =	ssyncset.done $0x0  }
0x67: {  	[sflag:s23] =	ssyncadd.s32 $0xFFFFE000  }
0x68: {  	_ =	swait.ge [sflag:s23], $0x2000  }
0x69: {  	[sflag:s23] =	ssyncset.done $0x0  }
0x6a: {  	[sflag:s23] =	ssyncadd.s32 $0xFFFFE000  }
0x6b: {  	_ =	swait.ge [sflag:s23], $0x2000  }
0x6c: {  	[sflag:s23] =	ssyncset.done $0x0  }
0x6d: {  	[sflag:s23] =	ssyncadd.s32 $0xFFFFE000  }
0x6e: {  	_ =	swait.ge [sflag:s23], $0x2000  }
0x6f: {  	[sflag:s23] =	ssyncset.done $0x0  }
0x70: {  	[sflag:s23] =	ssyncadd.s32 $0xFFFFE000  }
0x71: {  	[hbm4b:s25+s3] =	stream.linear.scatter [tilespmem:s14], [sflag:$0x2], $0xA000, $0x38;
	[tilespmem:$0x12480] =	vst v63  }
.Ltmp1:
0x72: {  	_ =	swait.ge [sflag:s26], $0x8000;
	(pc) =	sbr.rel @p0 .LBB2_1-.Ltmp1, $4  }
0x73: {  	[sflag:s26] =	ssyncset.done $0x0  }
0x74: {  	[sflag:s26] =	ssyncadd.s32 $0xFFFF8000  }
0x75: {  	_ =	swait.ge [sflag:s26], $0xA000  }
0x76: {  	[sflag:s26] =	ssyncset.done $0x0  }
.LBB2_2:
0x77: {  	[sflag:s26] =	ssyncadd.s32 $0xFFFF6000  }
0x78: {  	_ =	sfence.sel $0x180000  }
0x79: {  	[bflag:$0x0] =	sbarrier.arrive $0xFFFF  }
0x7a: {  	p0 =	sne.s32 s0, $0x0;
	_ =	strace $0x90000047  }
0x7b: {  	s0 =	sadd.s32 @!p0 $0x100000, s1;
	[bflag:$0x2] =	sbarrier.arrive $0xFFFF  }
0x7c: {  	[sflag:s0] =	ssyncadd.tile.s32 @!p0 $0x1;
	_ =	shalt  }
.Lfunc_end2:
_tile_overlayer_lowered:
.L_overlay_start_2:
0x7d: {  	(tag) =	ssettag $0x2  }
0x7e: {  	s0 =	rddreg [dreg:$0x0];
	s2 =	stileid.u32  }
0x7f: {  	s1 =	rddreg [dreg:$0x1];
	p0 =	sne.s32 s2, $0x0  }
0x80: {  	s3 =	rddreg [dreg:$0x2];
	[bflag:$0x3] =	sbarrier.arrive $0xFFFF;
	s2 =	simm.s32 @!p0 $0x1C03  }
0x81: {  	[timem:s3], [sflag:s2] =	dma.local @!p0 [hbm:s0], s1  }
0x82: {  	s0 =	simm.s32 @!p0 $0x3  }
0x83: {  	_ =	swait.ge @!p0 [sflag:s0], s1  }
0x84: {  	s1 =	ssub.s32 @!p0 $0x0, s1;
	[sflag:s0] =	ssyncset.done @!p0 $0x0  }
0x85: {  	[sflag:s0] =	ssyncadd.s32 @!p0 s1  }
0x86: {  	[bflag:$0x3] =	sbarrier.arrive $0xFFFF  }
0x87: {  	_ =	shalt  }

</sc_bundles>
